<compile_context>
chip_gen: v7x
topology: tpu7x:2x2x1
jax: 0.10.2.dev20260603
libtpu: 0.0.44.dev20260713+nightly
codegen_flags: <defaults>
</compile_context>

<pallas_src>
import functools

import jax
import jax.numpy as jnp
from jax import lax
from jax.experimental import pallas as pl
from jax.experimental.pallas import tpu as pltpu
from jax.experimental.pallas import tpu_sc as plsc

DIM = 64
PDIM = 128
SEQ = 50
GB = 4
HB = GB // 2
NC, NS = 2, 16
NW = NC * NS


@functools.lru_cache(maxsize=None)
def _make_gather(n_batch, n_table_rows):
    b_per_w = n_batch // NW
    n_groups = b_per_w // GB
    idx_per_w = b_per_w * SEQ
    grows = GB * SEQ
    assert b_per_w * NW == n_batch
    assert n_groups * GB == b_per_w
    assert n_groups % 2 == 0 and grows % 8 == 0

    mesh = plsc.VectorSubcoreMesh(core_axis_name="c", subcore_axis_name="s")

    @functools.partial(
        pl.kernel,
        out_type=jax.ShapeDtypeStruct((n_batch, SEQ, DIM), jnp.float32),
        mesh=mesh,
        scratch_types=[
            pltpu.VMEM((idx_per_w,), jnp.int32),
            pltpu.VMEM((2, grows, PDIM), jnp.float32),
            pltpu.VMEM((2, HB, SEQ, DIM), jnp.float32),
            pltpu.SemaphoreType.DMA,
            pltpu.SemaphoreType.DMA,
            pltpu.SemaphoreType.DMA,
            pltpu.SemaphoreType.DMA,
        ],
    )
    def gather_kernel(table_hbm, idx_hbm, out_hbm, idx_v, rows_v, pack_v,
                      gsem0, gsem1, psem0, psem1):
        gsems = (gsem0, gsem1)
        psems = (psem0, psem1)
        wid = lax.axis_index("s") * NC + lax.axis_index("c")
        b0 = wid * b_per_w

        pltpu.sync_copy(idx_hbm.at[pl.ds(wid * idx_per_w, idx_per_w)], idx_v)

        def gather(g, buf):
            pltpu.async_copy(
                table_hbm.at[idx_v.at[pl.ds(g * grows, grows)]],
                rows_v.at[buf], gsems[buf])

        def wait_gather(buf):
            pltpu.make_async_copy(
                table_hbm.at[pl.ds(0, grows)], rows_v.at[buf],
                gsems[buf]).wait()

        def repack(buf, h):
            for i in range(HB):
                base = (h * HB + i) * SEQ

                @pl.loop(0, SEQ, unroll=2)
                def _(s):
                    for c in range(DIM // 16):
                        pack_v[h, i, s, pl.ds(c * 16, 16)] = (
                            rows_v[buf, base + s, pl.ds(c * 16, 16)])

        def store(g, h):
            pltpu.async_copy(
                pack_v.at[h],
                out_hbm.at[pl.ds(b0 + g * GB + h * HB, HB)],
                psems[h])

        def wait_store(h):
            pltpu.make_async_copy(
                pack_v.at[h], out_hbm.at[pl.ds(b0, HB)], psems[h]).wait()

        gather(0, 0)
        gather(1, 1)

        @pl.loop(0, n_groups, step=2)
        def _(j0):
            for buf in range(2):
                j = j0 + buf
                wait_gather(buf)
                for h in range(2):

                    @pl.when(j > 0)
                    def _():
                        wait_store(h)

                    repack(buf, h)
                    store(j, h)

                @pl.when(j < n_groups - 2)
                def _():
                    gather(j + 2, buf)

        wait_store(0)
        wait_store(1)

    return gather_kernel


def kernel(node_positions, psne_layer):
    b, s = node_positions.shape
    idx_flat = node_positions.reshape(b * s).astype(jnp.int32)
    table128 = jnp.pad(psne_layer, ((0, 0), (0, PDIM - DIM)))
    fn = _make_gather(b, psne_layer.shape[0])
    return fn(table128, idx_flat)

# --- scband reference (transcript-rebuilt; emitter-appended) ---
"""Pipeline reference for scband-positional-encoding-52845277610678 (READ-ONLY COPY).

The authoritative reference and input builder live on the scoring server;
editing this copy changes nothing except your own understanding.
"""

import jax, jax.numpy as jnp
import numpy as np

MAX_NB_NODES = 100000
IN_DIM = 64

def _build_table():
    pos = np.arange(0, MAX_NB_NODES)[:, None].astype(np.float64)
    j = np.arange(IN_DIM)[None, :]
    idx = (j - j % 2).astype(np.float64)
    mask = (j % 2 == 0).astype(np.float64)
    pnt = pos / 10000 ** (idx / IN_DIM)
    val = np.sin(pnt) * mask + np.cos(pnt) * (1 - mask)
    return jnp.asarray(val, dtype=jnp.float32)

def setup_inputs(seed: int = 0):
    key = jax.random.key(seed)
    node_positions = jax.random.randint(key, (16384, 50), 0, MAX_NB_NODES)
    psne_layer = _build_table()
    return {"node_positions": node_positions, "psne_layer": psne_layer}

def reference(node_positions, psne_layer):
    # gather rows of the fixed sinusoidal table; dropout in eval mode is identity
    pos = jnp.take(psne_layer, node_positions, axis=0)
    return pos

if __name__ == "__main__":
    import jax
    _d = setup_inputs()
    print(jax.jit(kernel)(*tuple(_d.values())))

</pallas_src>

<mosaic_0001>
#map = affine_map<(d0, d1) -> (0, 0)>
#map1 = affine_map<(d0, d1) -> (0)>
#map2 = affine_map<(d0, d1) -> (0, 0, 0)>
module attributes {stable_mosaic.version = 14 : i64} {
  func.func @gather_kernel(%arg0: i32, %arg1: i32, %arg2: memref<100000x128xf32, #tpu.memory_space<hbm>>, %arg3: memref<819200xi32, #tpu.memory_space<hbm>>, %arg4: memref<16384x50x64xf32, #tpu.memory_space<hbm>>, %arg5: memref<25600xi32, #tpu.memory_space<vmem>>, %arg6: memref<2x200x128xf32, #tpu.memory_space<vmem>>, %arg7: memref<2x2x50x64xf32, #tpu.memory_space<vmem>>, %arg8: memref<!tpu.dma_semaphore, #tpu.memory_space<semaphore_mem>>, %arg9: memref<!tpu.dma_semaphore, #tpu.memory_space<semaphore_mem>>, %arg10: memref<!tpu.dma_semaphore, #tpu.memory_space<semaphore_mem>>, %arg11: memref<!tpu.dma_semaphore, #tpu.memory_space<semaphore_mem>>) attributes {dimension_semantics = [#tpu.dimension_semantics<core_parallel>, #tpu.dimension_semantics<subcore_parallel>], iteration_bounds = array<i64: 2, 16>, scalar_prefetch = 0 : i64, scratch_operands = 7 : i64, tpu.core_type = #tpu.core_type<sc_vector_subcore>, window_params = [{transform_indices = #map}, {transform_indices = #map1}, {transform_indices = #map2}]} {
    %mul3A = arith.constant 2 : i32
    %mul3A_0 = arith.muli %arg1, %mul3A : i32
    %add3A = arith.addi %mul3A_0, %arg0 : i32
    %mul3A_1 = arith.constant 512 : i32
    %mul3A_2 = arith.muli %add3A, %mul3A_1 : i32
    %mul3A_3 = arith.constant 25600 : i32
    %mul3A_4 = arith.muli %add3A, %mul3A_3 : i32
    "tpu.region"() ({
      %run_scoped3A = tpu.sem_alloc : memref<!tpu.dma_semaphore, #tpu.memory_space<semaphore_mem>>
      %dma_start3A_61 = tpu.memref_slice %arg3[%mul3A_4] : memref<819200xi32, #tpu.memory_space<hbm>> -> memref<25600xi32, #tpu.memory_space<hbm>>
      %dma_start3A_62 = tpu.memref_slice %arg3[%mul3A_4] : memref<819200xi32, #tpu.memory_space<hbm>> -> memref<25600xi32, #tpu.memory_space<hbm>>
      tpu.enqueue_dma source(%dma_start3A_62 : memref<25600xi32, #tpu.memory_space<hbm>>) target(%arg5 : memref<25600xi32, #tpu.memory_space<vmem>>) target_semaphore(%run_scoped3A : memref<!tpu.dma_semaphore, #tpu.memory_space<semaphore_mem>>)
      %dma_wait3A_63 = tpu.memref_slice %arg3[%mul3A_4] : memref<819200xi32, #tpu.memory_space<hbm>> -> memref<25600xi32, #tpu.memory_space<hbm>>
      %dma_wait3A_64 = tpu.memref_slice %arg3[%mul3A_4] : memref<819200xi32, #tpu.memory_space<hbm>> -> memref<25600xi32, #tpu.memory_space<hbm>>
      tpu.wait_dma2 semaphore(%run_scoped3A : memref<!tpu.dma_semaphore, #tpu.memory_space<semaphore_mem>>) src(%dma_wait3A_64 : memref<25600xi32, #tpu.memory_space<hbm>>) dst(%arg5 : memref<25600xi32, #tpu.memory_space<vmem>>)
      tpu.yield
    }) : () -> ()
    %dma_start3A = arith.constant 0 : i32
    %dma_start3A_5 = arith.constant 0 : i32
    %dma_start3A_6 = arith.constant 0 : i32
    %dma_start3A_7 = tpu.memref_slice %arg6[%dma_start3A, %dma_start3A_5, %dma_start3A_6] : memref<2x200x128xf32, #tpu.memory_space<vmem>> -> memref<1x200x128xf32, #tpu.memory_space<vmem>>
    %dma_start3A_8 = tpu.memref_squeeze %dma_start3A_7 : memref<1x200x128xf32, #tpu.memory_space<vmem>> -> memref<200x128xf32, #tpu.memory_space<vmem>>
    %dma_start3A_9 = arith.constant 0 : i32
    %dma_start3A_10 = tpu.memref_slice %arg5[%dma_start3A_9] : memref<25600xi32, #tpu.memory_space<vmem>> -> memref<200xi32, #tpu.memory_space<vmem>>
    %dma_start3A_11 = arith.constant 0 : i32
    %dma_start3A_12 = arith.constant 0 : i32
    %dma_start3A_13 = tpu.memref_slice %arg2[%dma_start3A_11, %dma_start3A_12] : memref<100000x128xf32, #tpu.memory_space<hbm>> -> memref<100000x128xf32, #tpu.memory_space<hbm>>
    tpu.enqueue_indirect_dma source(%dma_start3A_13 : memref<100000x128xf32, #tpu.memory_space<hbm>>) target(%dma_start3A_8 : memref<200x128xf32, #tpu.memory_space<vmem>>) offsets(%dma_start3A_10 : memref<200xi32, #tpu.memory_space<vmem>>) semaphore(%arg8 : memref<!tpu.dma_semaphore, #tpu.memory_space<semaphore_mem>>)
    %dma_start3A_14 = arith.constant 1 : i32
    %dma_start3A_15 = arith.constant 0 : i32
    %dma_start3A_16 = arith.constant 0 : i32
    %dma_start3A_17 = tpu.memref_slice %arg6[%dma_start3A_14, %dma_start3A_15, %dma_start3A_16] : memref<2x200x128xf32, #tpu.memory_space<vmem>> -> memref<1x200x128xf32, #tpu.memory_space<vmem>>
    %dma_start3A_18 = tpu.memref_squeeze %dma_start3A_17 : memref<1x200x128xf32, #tpu.memory_space<vmem>> -> memref<200x128xf32, #tpu.memory_space<vmem>>
    %dma_start3A_19 = arith.constant 200 : i32
    %dma_start3A_20 = tpu.memref_slice %arg5[%dma_start3A_19] : memref<25600xi32, #tpu.memory_space<vmem>> -> memref<200xi32, #tpu.memory_space<vmem>>
    %dma_start3A_21 = arith.constant 0 : i32
    %dma_start3A_22 = arith.constant 0 : i32
    %dma_start3A_23 = tpu.memref_slice %arg2[%dma_start3A_21, %dma_start3A_22] : memref<100000x128xf32, #tpu.memory_space<hbm>> -> memref<100000x128xf32, #tpu.memory_space<hbm>>
    tpu.enqueue_indirect_dma source(%dma_start3A_23 : memref<100000x128xf32, #tpu.memory_space<hbm>>) target(%dma_start3A_18 : memref<200x128xf32, #tpu.memory_space<vmem>>) offsets(%dma_start3A_20 : memref<200xi32, #tpu.memory_space<vmem>>) semaphore(%arg9 : memref<!tpu.dma_semaphore, #tpu.memory_space<semaphore_mem>>)
    %scan3A = arith.constant 0 : i32
    %scan3A_24 = arith.constant 64 : i32
    %scan3A_25 = arith.addi %scan3A, %scan3A_24 : i32
    %scan3A_26 = arith.constant 1 : i32
    scf.for %scan3A_61 = %scan3A to %scan3A_25 step %scan3A_26  : i32 {
      %mul3A_62 = arith.constant 2 : i32
      %mul3A_63 = arith.muli %scan3A_61, %mul3A_62 : i32
      %add3A_64 = arith.constant 0 : i32
      %add3A_65 = arith.addi %add3A_64, %mul3A_63 : i32
      %add3A_66 = arith.constant 0 : i32
      %add3A_67 = arith.addi %add3A_65, %add3A_66 : i32
      %dma_wait3A_68 = arith.constant 0 : i32
      %dma_wait3A_69 = arith.constant 0 : i32
      %dma_wait3A_70 = arith.constant 0 : i32
      %dma_wait3A_71 = tpu.memref_slice %arg6[%dma_wait3A_68, %dma_wait3A_69, %dma_wait3A_70] : memref<2x200x128xf32, #tpu.memory_space<vmem>> -> memref<1x200x128xf32, #tpu.memory_space<vmem>>
      %dma_wait3A_72 = tpu.memref_squeeze %dma_wait3A_71 : memref<1x200x128xf32, #tpu.memory_space<vmem>> -> memref<200x128xf32, #tpu.memory_space<vmem>>
      %dma_wait3A_73 = arith.constant 0 : i32
      %dma_wait3A_74 = arith.constant 0 : i32
      %dma_wait3A_75 = tpu.memref_slice %arg2[%dma_wait3A_73, %dma_wait3A_74] : memref<100000x128xf32, #tpu.memory_space<hbm>> -> memref<200x128xf32, #tpu.memory_space<hbm>>
      %dma_wait3A_76 = arith.constant 0 : i32
      %dma_wait3A_77 = arith.constant 0 : i32
      %dma_wait3A_78 = tpu.memref_slice %arg6[%dma_wait3A_68, %dma_wait3A_76, %dma_wait3A_77] : memref<2x200x128xf32, #tpu.memory_space<vmem>> -> memref<1x200x128xf32, #tpu.memory_space<vmem>>
      %dma_wait3A_79 = tpu.memref_squeeze %dma_wait3A_78 : memref<1x200x128xf32, #tpu.memory_space<vmem>> -> memref<200x128xf32, #tpu.memory_space<vmem>>
      %dma_wait3A_80 = arith.constant 0 : i32
      %dma_wait3A_81 = arith.constant 0 : i32
      %dma_wait3A_82 = tpu.memref_slice %arg2[%dma_wait3A_80, %dma_wait3A_81] : memref<100000x128xf32, #tpu.memory_space<hbm>> -> memref<200x128xf32, #tpu.memory_space<hbm>>
      tpu.wait_dma2 semaphore(%arg8 : memref<!tpu.dma_semaphore, #tpu.memory_space<semaphore_mem>>) src(%dma_wait3A_82 : memref<200x128xf32, #tpu.memory_space<hbm>>) dst(%dma_wait3A_79 : memref<200x128xf32, #tpu.memory_space<vmem>>)
      %gt3A = arith.constant 0 : i32
      %gt3A_83 = arith.cmpi sgt, %add3A_67, %gt3A : i32
      %convert_element_type3A = arith.extui %gt3A_83 : i1 to i32
      %cond3A = arith.constant 0 : i32
      %cond3A_84 = arith.cmpi ne, %convert_element_type3A, %cond3A : i32
      scf.if %cond3A_84 {
        %dma_wait3A_254 = arith.constant 0 : i32
        %dma_wait3A_255 = arith.constant 0 : i32
        %dma_wait3A_256 = arith.constant 0 : i32
        %dma_wait3A_257 = arith.constant 0 : i32
        %dma_wait3A_258 = tpu.memref_slice %arg7[%dma_wait3A_254, %dma_wait3A_255, %dma_wait3A_256, %dma_wait3A_257] : memref<2x2x50x64xf32, #tpu.memory_space<vmem>> -> memref<1x2x50x64xf32, #tpu.memory_space<vmem>>
        %dma_wait3A_259 = tpu.memref_squeeze %dma_wait3A_258 : memref<1x2x50x64xf32, #tpu.memory_space<vmem>> -> memref<2x50x64xf32, #tpu.memory_space<vmem>>
        %dma_wait3A_260 = arith.constant 0 : i32
        %dma_wait3A_261 = arith.constant 0 : i32
        %dma_wait3A_262 = tpu.memref_slice %arg4[%mul3A_2, %dma_wait3A_260, %dma_wait3A_261] : memref<16384x50x64xf32, #tpu.memory_space<hbm>> -> memref<2x50x64xf32, #tpu.memory_space<hbm>>
        %dma_wait3A_263 = arith.constant 0 : i32
        %dma_wait3A_264 = arith.constant 0 : i32
        %dma_wait3A_265 = tpu.memref_slice %arg4[%mul3A_2, %dma_wait3A_263, %dma_wait3A_264] : memref<16384x50x64xf32, #tpu.memory_space<hbm>> -> memref<2x50x64xf32, #tpu.memory_space<hbm>>
        %dma_wait3A_266 = arith.constant 0 : i32
        %dma_wait3A_267 = arith.constant 0 : i32
        %dma_wait3A_268 = arith.constant 0 : i32
        %dma_wait3A_269 = tpu.memref_slice %arg7[%dma_wait3A_254, %dma_wait3A_266, %dma_wait3A_267, %dma_wait3A_268] : memref<2x2x50x64xf32, #tpu.memory_space<vmem>> -> memref<1x2x50x64xf32, #tpu.memory_space<vmem>>
        %dma_wait3A_270 = tpu.memref_squeeze %dma_wait3A_269 : memref<1x2x50x64xf32, #tpu.memory_space<vmem>> -> memref<2x50x64xf32, #tpu.memory_space<vmem>>
        tpu.wait_dma2 semaphore(%arg10 : memref<!tpu.dma_semaphore, #tpu.memory_space<semaphore_mem>>) src(%dma_wait3A_270 : memref<2x50x64xf32, #tpu.memory_space<vmem>>) dst(%dma_wait3A_265 : memref<2x50x64xf32, #tpu.memory_space<hbm>>)
      } else {
      }
      %scan3A_85 = arith.constant 0 : i32
      %scan3A_86 = arith.constant 50 : i32
      %scan3A_87 = arith.addi %scan3A_85, %scan3A_86 : i32
      %scan3A_88 = arith.constant 2 : i32
      scf.for %scan3A_254 = %scan3A_85 to %scan3A_87 step %scan3A_88  : i32 {
        %mul3A_255 = arith.constant 1 : i32
        %mul3A_256 = arith.muli %scan3A_254, %mul3A_255 : i32
        %add3A_257 = arith.constant 0 : i32
        %add3A_258 = arith.addi %add3A_257, %mul3A_256 : i32
        %add3A_259 = arith.constant 0 : i32
        %add3A_260 = arith.addi %add3A_259, %add3A_258 : i32
        %get3A = arith.constant 0 : i32
        %get3A_261 = arith.index_cast %get3A : i32 to index
        %get3A_262 = arith.index_cast %add3A_260 : i32 to index
        %get3A_263 = arith.constant 0 : index
        %get3A_264 = tpu.vector_load %arg6[%get3A_261, %get3A_262, %get3A_263] {strides = array<i32>} : memref<2x200x128xf32, #tpu.memory_space<vmem>>, vector<1x1x16xf32>,
        %get3A_265 = vector.shape_cast %get3A_264 : vector<1x1x16xf32> to vector<16xf32>
        %swap3A = arith.constant 0 : i32
        %swap3A_266 = arith.constant 0 : i32
        %swap3A_267 = arith.index_cast %swap3A : i32 to index
        %swap3A_268 = arith.index_cast %swap3A_266 : i32 to index
        %swap3A_269 = arith.index_cast %add3A_258 : i32 to index
        %swap3A_270 = arith.constant 0 : index
        %swap3A_271 = tpu.vector_load %arg7[%swap3A_267, %swap3A_268, %swap3A_269, %swap3A_270] {strides = array<i32>} : memref<2x2x50x64xf32, #tpu.memory_space<vmem>>, vector<1x1x1x16xf32>,
        %swap3A_272 = vector.shape_cast %swap3A_271 : vector<1x1x1x16xf32> to vector<16xf32>
        %swap3A_273 = vector.shape_cast %get3A_265 : vector<16xf32> to vector<1x1x1x16xf32>
        tpu.vector_store %arg7[%swap3A_267, %swap3A_268, %swap3A_269, %swap3A_270], %swap3A_273 {strides = array<i32>} : memref<2x2x50x64xf32, #tpu.memory_space<vmem>>, vector<1x1x1x16xf32>,
        %add3A_274 = arith.constant 0 : i32
        %add3A_275 = arith.addi %add3A_274, %add3A_258 : i32
        %get3A_276 = arith.constant 0 : i32
        %get3A_277 = arith.index_cast %get3A_276 : i32 to index
        %get3A_278 = arith.index_cast %add3A_275 : i32 to index
        %get3A_279 = arith.constant 16 : index
        %get3A_280 = tpu.vector_load %arg6[%get3A_277, %get3A_278, %get3A_279] {strides = array<i32>} : memref<2x200x128xf32, #tpu.memory_space<vmem>>, vector<1x1x16xf32>,
        %get3A_281 = vector.shape_cast %get3A_280 : vector<1x1x16xf32> to vector<16xf32>
        %swap3A_282 = arith.constant 0 : i32
        %swap3A_283 = arith.constant 0 : i32
        %swap3A_284 = arith.index_cast %swap3A_282 : i32 to index
        %swap3A_285 = arith.index_cast %swap3A_283 : i32 to index
        %swap3A_286 = arith.index_cast %add3A_258 : i32 to index
        %swap3A_287 = arith.constant 16 : index
        %swap3A_288 = tpu.vector_load %arg7[%swap3A_284, %swap3A_285, %swap3A_286, %swap3A_287] {strides = array<i32>} : memref<2x2x50x64xf32, #tpu.memory_space<vmem>>, vector<1x1x1x16xf32>,
        %swap3A_289 = vector.shape_cast %swap3A_288 : vector<1x1x1x16xf32> to vector<16xf32>
        %swap3A_290 = vector.shape_cast %get3A_281 : vector<16xf32> to vector<1x1x1x16xf32>
        tpu.vector_store %arg7[%swap3A_284, %swap3A_285, %swap3A_286, %swap3A_287], %swap3A_290 {strides = array<i32>} : memref<2x2x50x64xf32, #tpu.memory_space<vmem>>, vector<1x1x1x16xf32>,
        %add3A_291 = arith.constant 0 : i32
        %add3A_292 = arith.addi %add3A_291, %add3A_258 : i32
        %get3A_293 = arith.constant 0 : i32
        %get3A_294 = arith.index_cast %get3A_293 : i32 to index
        %get3A_295 = arith.index_cast %add3A_292 : i32 to index
        %get3A_296 = arith.constant 32 : index
        %get3A_297 = tpu.vector_load %arg6[%get3A_294, %get3A_295, %get3A_296] {strides = array<i32>} : memref<2x200x128xf32, #tpu.memory_space<vmem>>, vector<1x1x16xf32>,
        %get3A_298 = vector.shape_cast %get3A_297 : vector<1x1x16xf32> to vector<16xf32>
        %swap3A_299 = arith.constant 0 : i32
        %swap3A_300 = arith.constant 0 : i32
        %swap3A_301 = arith.index_cast %swap3A_299 : i32 to index
        %swap3A_302 = arith.index_cast %swap3A_300 : i32 to index
        %swap3A_303 = arith.index_cast %add3A_258 : i32 to index
        %swap3A_304 = arith.constant 32 : index
        %swap3A_305 = tpu.vector_load %arg7[%swap3A_301, %swap3A_302, %swap3A_303, %swap3A_304] {strides = array<i32>} : memref<2x2x50x64xf32, #tpu.memory_space<vmem>>, vector<1x1x1x16xf32>,
        %swap3A_306 = vector.shape_cast %swap3A_305 : vector<1x1x1x16xf32> to vector<16xf32>
        %swap3A_307 = vector.shape_cast %get3A_298 : vector<16xf32> to vector<1x1x1x16xf32>
        tpu.vector_store %arg7[%swap3A_301, %swap3A_302, %swap3A_303, %swap3A_304], %swap3A_307 {strides = array<i32>} : memref<2x2x50x64xf32, #tpu.memory_space<vmem>>, vector<1x1x1x16xf32>,
        %add3A_308 = arith.constant 0 : i32
        %add3A_309 = arith.addi %add3A_308, %add3A_258 : i32
        %get3A_310 = arith.constant 0 : i32
        %get3A_311 = arith.index_cast %get3A_310 : i32 to index
        %get3A_312 = arith.index_cast %add3A_309 : i32 to index
        %get3A_313 = arith.constant 48 : index
        %get3A_314 = tpu.vector_load %arg6[%get3A_311, %get3A_312, %get3A_313] {strides = array<i32>} : memref<2x200x128xf32, #tpu.memory_space<vmem>>, vector<1x1x16xf32>,
        %get3A_315 = vector.shape_cast %get3A_314 : vector<1x1x16xf32> to vector<16xf32>
        %swap3A_316 = arith.constant 0 : i32
        %swap3A_317 = arith.constant 0 : i32
        %swap3A_318 = arith.index_cast %swap3A_316 : i32 to index
        %swap3A_319 = arith.index_cast %swap3A_317 : i32 to index
        %swap3A_320 = arith.index_cast %add3A_258 : i32 to index
        %swap3A_321 = arith.constant 48 : index
        %swap3A_322 = tpu.vector_load %arg7[%swap3A_318, %swap3A_319, %swap3A_320, %swap3A_321] {strides = array<i32>} : memref<2x2x50x64xf32, #tpu.memory_space<vmem>>, vector<1x1x1x16xf32>,
        %swap3A_323 = vector.shape_cast %swap3A_322 : vector<1x1x1x16xf32> to vector<16xf32>
        %swap3A_324 = vector.shape_cast %get3A_315 : vector<16xf32> to vector<1x1x1x16xf32>
        tpu.vector_store %arg7[%swap3A_318, %swap3A_319, %swap3A_320, %swap3A_321], %swap3A_324 {strides = array<i32>} : memref<2x2x50x64xf32, #tpu.memory_space<vmem>>, vector<1x1x1x16xf32>,
        %scan3A_325 = arith.constant 1 : i32
        %scan3A_326 = arith.addi %scan3A_254, %scan3A_325 : i32
        %mul3A_327 = arith.constant 1 : i32
        %mul3A_328 = arith.muli %scan3A_326, %mul3A_327 : i32
        %add3A_329 = arith.constant 0 : i32
        %add3A_330 = arith.addi %add3A_329, %mul3A_328 : i32
        %add3A_331 = arith.constant 0 : i32
        %add3A_332 = arith.addi %add3A_331, %add3A_330 : i32
        %get3A_333 = arith.constant 0 : i32
        %get3A_334 = arith.index_cast %get3A_333 : i32 to index
        %get3A_335 = arith.index_cast %add3A_332 : i32 to index
        %get3A_336 = arith.constant 0 : index
        %get3A_337 = tpu.vector_load %arg6[%get3A_334, %get3A_335, %get3A_336] {strides = array<i32>} : memref<2x200x128xf32, #tpu.memory_space<vmem>>, vector<1x1x16xf32>,
        %get3A_338 = vector.shape_cast %get3A_337 : vector<1x1x16xf32> to vector<16xf32>
        %swap3A_339 = arith.constant 0 : i32
        %swap3A_340 = arith.constant 0 : i32
        %swap3A_341 = arith.index_cast %swap3A_339 : i32 to index
        %swap3A_342 = arith.index_cast %swap3A_340 : i32 to index
        %swap3A_343 = arith.index_cast %add3A_330 : i32 to index
        %swap3A_344 = arith.constant 0 : index
        %swap3A_345 = tpu.vector_load %arg7[%swap3A_341, %swap3A_342, %swap3A_343, %swap3A_344] {strides = array<i32>} : memref<2x2x50x64xf32, #tpu.memory_space<vmem>>, vector<1x1x1x16xf32>,
        %swap3A_346 = vector.shape_cast %swap3A_345 : vector<1x1x1x16xf32> to vector<16xf32>
        %swap3A_347 = vector.shape_cast %get3A_338 : vector<16xf32> to vector<1x1x1x16xf32>
        tpu.vector_store %arg7[%swap3A_341, %swap3A_342, %swap3A_343, %swap3A_344], %swap3A_347 {strides = array<i32>} : memref<2x2x50x64xf32, #tpu.memory_space<vmem>>, vector<1x1x1x16xf32>,
        %add3A_348 = arith.constant 0 : i32
        %add3A_349 = arith.addi %add3A_348, %add3A_330 : i32
        %get3A_350 = arith.constant 0 : i32
        %get3A_351 = arith.index_cast %get3A_350 : i32 to index
        %get3A_352 = arith.index_cast %add3A_349 : i32 to index
        %get3A_353 = arith.constant 16 : index
        %get3A_354 = tpu.vector_load %arg6[%get3A_351, %get3A_352, %get3A_353] {strides = array<i32>} : memref<2x200x128xf32, #tpu.memory_space<vmem>>, vector<1x1x16xf32>,
        %get3A_355 = vector.shape_cast %get3A_354 : vector<1x1x16xf32> to vector<16xf32>
        %swap3A_356 = arith.constant 0 : i32
        %swap3A_357 = arith.constant 0 : i32
        %swap3A_358 = arith.index_cast %swap3A_356 : i32 to index
        %swap3A_359 = arith.index_cast %swap3A_357 : i32 to index
        %swap3A_360 = arith.index_cast %add3A_330 : i32 to index
        %swap3A_361 = arith.constant 16 : index
        %swap3A_362 = tpu.vector_load %arg7[%swap3A_358, %swap3A_359, %swap3A_360, %swap3A_361] {strides = array<i32>} : memref<2x2x50x64xf32, #tpu.memory_space<vmem>>, vector<1x1x1x16xf32>,
        %swap3A_363 = vector.shape_cast %swap3A_362 : vector<1x1x1x16xf32> to vector<16xf32>
        %swap3A_364 = vector.shape_cast %get3A_355 : vector<16xf32> to vector<1x1x1x16xf32>
        tpu.vector_store %arg7[%swap3A_358, %swap3A_359, %swap3A_360, %swap3A_361], %swap3A_364 {strides = array<i32>} : memref<2x2x50x64xf32, #tpu.memory_space<vmem>>, vector<1x1x1x16xf32>,
        %add3A_365 = arith.constant 0 : i32
        %add3A_366 = arith.addi %add3A_365, %add3A_330 : i32
        %get3A_367 = arith.constant 0 : i32
        %get3A_368 = arith.index_cast %get3A_367 : i32 to index
        %get3A_369 = arith.index_cast %add3A_366 : i32 to index
        %get3A_370 = arith.constant 32 : index
        %get3A_371 = tpu.vector_load %arg6[%get3A_368, %get3A_369, %get3A_370] {strides = array<i32>} : memref<2x200x128xf32, #tpu.memory_space<vmem>>, vector<1x1x16xf32>,
        %get3A_372 = vector.shape_cast %get3A_371 : vector<1x1x16xf32> to vector<16xf32>
        %swap3A_373 = arith.constant 0 : i32
        %swap3A_374 = arith.constant 0 : i32
        %swap3A_375 = arith.index_cast %swap3A_373 : i32 to index
        %swap3A_376 = arith.index_cast %swap3A_374 : i32 to index
        %swap3A_377 = arith.index_cast %add3A_330 : i32 to index
        %swap3A_378 = arith.constant 32 : index
        %swap3A_379 = tpu.vector_load %arg7[%swap3A_375, %swap3A_376, %swap3A_377, %swap3A_378] {strides = array<i32>} : memref<2x2x50x64xf32, #tpu.memory_space<vmem>>, vector<1x1x1x16xf32>,
        %swap3A_380 = vector.shape_cast %swap3A_379 : vector<1x1x1x16xf32> to vector<16xf32>
        %swap3A_381 = vector.shape_cast %get3A_372 : vector<16xf32> to vector<1x1x1x16xf32>
        tpu.vector_store %arg7[%swap3A_375, %swap3A_376, %swap3A_377, %swap3A_378], %swap3A_381 {strides = array<i32>} : memref<2x2x50x64xf32, #tpu.memory_space<vmem>>, vector<1x1x1x16xf32>,
        %add3A_382 = arith.constant 0 : i32
        %add3A_383 = arith.addi %add3A_382, %add3A_330 : i32
        %get3A_384 = arith.constant 0 : i32
        %get3A_385 = arith.index_cast %get3A_384 : i32 to index
        %get3A_386 = arith.index_cast %add3A_383 : i32 to index
        %get3A_387 = arith.constant 48 : index
        %get3A_388 = tpu.vector_load %arg6[%get3A_385, %get3A_386, %get3A_387] {strides = array<i32>} : memref<2x200x128xf32, #tpu.memory_space<vmem>>, vector<1x1x16xf32>,
        %get3A_389 = vector.shape_cast %get3A_388 : vector<1x1x16xf32> to vector<16xf32>
        %swap3A_390 = arith.constant 0 : i32
        %swap3A_391 = arith.constant 0 : i32
        %swap3A_392 = arith.index_cast %swap3A_390 : i32 to index
        %swap3A_393 = arith.index_cast %swap3A_391 : i32 to index
        %swap3A_394 = arith.index_cast %add3A_330 : i32 to index
        %swap3A_395 = arith.constant 48 : index
        %swap3A_396 = tpu.vector_load %arg7[%swap3A_392, %swap3A_393, %swap3A_394, %swap3A_395] {strides = array<i32>} : memref<2x2x50x64xf32, #tpu.memory_space<vmem>>, vector<1x1x1x16xf32>,
        %swap3A_397 = vector.shape_cast %swap3A_396 : vector<1x1x1x16xf32> to vector<16xf32>
        %swap3A_398 = vector.shape_cast %get3A_389 : vector<16xf32> to vector<1x1x1x16xf32>
        tpu.vector_store %arg7[%swap3A_392, %swap3A_393, %swap3A_394, %swap3A_395], %swap3A_398 {strides = array<i32>} : memref<2x2x50x64xf32, #tpu.memory_space<vmem>>, vector<1x1x1x16xf32>,
      }
      %scan3A_89 = arith.constant 50 : i32
      %scan3A_90 = arith.constant 0 : i32
      %scan3A_91 = arith.constant 50 : i32
      %scan3A_92 = arith.addi %scan3A_90, %scan3A_91 : i32
      %scan3A_93 = arith.constant 2 : i32
      scf.for %scan3A_254 = %scan3A_90 to %scan3A_92 step %scan3A_93  : i32 {
        %mul3A_255 = arith.constant 1 : i32
        %mul3A_256 = arith.muli %scan3A_254, %mul3A_255 : i32
        %add3A_257 = arith.constant 0 : i32
        %add3A_258 = arith.addi %add3A_257, %mul3A_256 : i32
        %add3A_259 = arith.constant 50 : i32
        %add3A_260 = arith.addi %add3A_259, %add3A_258 : i32
        %get3A = arith.constant 0 : i32
        %get3A_261 = arith.index_cast %get3A : i32 to index
        %get3A_262 = arith.index_cast %add3A_260 : i32 to index
        %get3A_263 = arith.constant 0 : index
        %get3A_264 = tpu.vector_load %arg6[%get3A_261, %get3A_262, %get3A_263] {strides = array<i32>} : memref<2x200x128xf32, #tpu.memory_space<vmem>>, vector<1x1x16xf32>,
        %get3A_265 = vector.shape_cast %get3A_264 : vector<1x1x16xf32> to vector<16xf32>
        %swap3A = arith.constant 0 : i32
        %swap3A_266 = arith.constant 1 : i32
        %swap3A_267 = arith.index_cast %swap3A : i32 to index
        %swap3A_268 = arith.index_cast %swap3A_266 : i32 to index
        %swap3A_269 = arith.index_cast %add3A_258 : i32 to index
        %swap3A_270 = arith.constant 0 : index
        %swap3A_271 = tpu.vector_load %arg7[%swap3A_267, %swap3A_268, %swap3A_269, %swap3A_270] {strides = array<i32>} : memref<2x2x50x64xf32, #tpu.memory_space<vmem>>, vector<1x1x1x16xf32>,
        %swap3A_272 = vector.shape_cast %swap3A_271 : vector<1x1x1x16xf32> to vector<16xf32>
        %swap3A_273 = vector.shape_cast %get3A_265 : vector<16xf32> to vector<1x1x1x16xf32>
        tpu.vector_store %arg7[%swap3A_267, %swap3A_268, %swap3A_269, %swap3A_270], %swap3A_273 {strides = array<i32>} : memref<2x2x50x64xf32, #tpu.memory_space<vmem>>, vector<1x1x1x16xf32>,
        %add3A_274 = arith.constant 50 : i32
        %add3A_275 = arith.addi %add3A_274, %add3A_258 : i32
        %get3A_276 = arith.constant 0 : i32
        %get3A_277 = arith.index_cast %get3A_276 : i32 to index
        %get3A_278 = arith.index_cast %add3A_275 : i32 to index
        %get3A_279 = arith.constant 16 : index
        %get3A_280 = tpu.vector_load %arg6[%get3A_277, %get3A_278, %get3A_279] {strides = array<i32>} : memref<2x200x128xf32, #tpu.memory_space<vmem>>, vector<1x1x16xf32>,
        %get3A_281 = vector.shape_cast %get3A_280 : vector<1x1x16xf32> to vector<16xf32>
        %swap3A_282 = arith.constant 0 : i32
        %swap3A_283 = arith.constant 1 : i32
        %swap3A_284 = arith.index_cast %swap3A_282 : i32 to index
        %swap3A_285 = arith.index_cast %swap3A_283 : i32 to index
        %swap3A_286 = arith.index_cast %add3A_258 : i32 to index
        %swap3A_287 = arith.constant 16 : index
        %swap3A_288 = tpu.vector_load %arg7[%swap3A_284, %swap3A_285, %swap3A_286, %swap3A_287] {strides = array<i32>} : memref<2x2x50x64xf32, #tpu.memory_space<vmem>>, vector<1x1x1x16xf32>,
        %swap3A_289 = vector.shape_cast %swap3A_288 : vector<1x1x1x16xf32> to vector<16xf32>
        %swap3A_290 = vector.shape_cast %get3A_281 : vector<16xf32> to vector<1x1x1x16xf32>
        tpu.vector_store %arg7[%swap3A_284, %swap3A_285, %swap3A_286, %swap3A_287], %swap3A_290 {strides = array<i32>} : memref<2x2x50x64xf32, #tpu.memory_space<vmem>>, vector<1x1x1x16xf32>,
        %add3A_291 = arith.constant 50 : i32
        %add3A_292 = arith.addi %add3A_291, %add3A_258 : i32
        %get3A_293 = arith.constant 0 : i32
        %get3A_294 = arith.index_cast %get3A_293 : i32 to index
        %get3A_295 = arith.index_cast %add3A_292 : i32 to index
        %get3A_296 = arith.constant 32 : index
        %get3A_297 = tpu.vector_load %arg6[%get3A_294, %get3A_295, %get3A_296] {strides = array<i32>} : memref<2x200x128xf32, #tpu.memory_space<vmem>>, vector<1x1x16xf32>,
        %get3A_298 = vector.shape_cast %get3A_297 : vector<1x1x16xf32> to vector<16xf32>
        %swap3A_299 = arith.constant 0 : i32
        %swap3A_300 = arith.constant 1 : i32
        %swap3A_301 = arith.index_cast %swap3A_299 : i32 to index
        %swap3A_302 = arith.index_cast %swap3A_300 : i32 to index
        %swap3A_303 = arith.index_cast %add3A_258 : i32 to index
        %swap3A_304 = arith.constant 32 : index
        %swap3A_305 = tpu.vector_load %arg7[%swap3A_301, %swap3A_302, %swap3A_303, %swap3A_304] {strides = array<i32>} : memref<2x2x50x64xf32, #tpu.memory_space<vmem>>, vector<1x1x1x16xf32>,
        %swap3A_306 = vector.shape_cast %swap3A_305 : vector<1x1x1x16xf32> to vector<16xf32>
        %swap3A_307 = vector.shape_cast %get3A_298 : vector<16xf32> to vector<1x1x1x16xf32>
        tpu.vector_store %arg7[%swap3A_301, %swap3A_302, %swap3A_303, %swap3A_304], %swap3A_307 {strides = array<i32>} : memref<2x2x50x64xf32, #tpu.memory_space<vmem>>, vector<1x1x1x16xf32>,
        %add3A_308 = arith.constant 50 : i32
        %add3A_309 = arith.addi %add3A_308, %add3A_258 : i32
        %get3A_310 = arith.constant 0 : i32
        %get3A_311 = arith.index_cast %get3A_310 : i32 to index
        %get3A_312 = arith.index_cast %add3A_309 : i32 to index
        %get3A_313 = arith.constant 48 : index
        %get3A_314 = tpu.vector_load %arg6[%get3A_311, %get3A_312, %get3A_313] {strides = array<i32>} : memref<2x200x128xf32, #tpu.memory_space<vmem>>, vector<1x1x16xf32>,
        %get3A_315 = vector.shape_cast %get3A_314 : vector<1x1x16xf32> to vector<16xf32>
        %swap3A_316 = arith.constant 0 : i32
        %swap3A_317 = arith.constant 1 : i32
        %swap3A_318 = arith.index_cast %swap3A_316 : i32 to index
        %swap3A_319 = arith.index_cast %swap3A_317 : i32 to index
        %swap3A_320 = arith.index_cast %add3A_258 : i32 to index
        %swap3A_321 = arith.constant 48 : index
        %swap3A_322 = tpu.vector_load %arg7[%swap3A_318, %swap3A_319, %swap3A_320, %swap3A_321] {strides = array<i32>} : memref<2x2x50x64xf32, #tpu.memory_space<vmem>>, vector<1x1x1x16xf32>,
        %swap3A_323 = vector.shape_cast %swap3A_322 : vector<1x1x1x16xf32> to vector<16xf32>
        %swap3A_324 = vector.shape_cast %get3A_315 : vector<16xf32> to vector<1x1x1x16xf32>
        tpu.vector_store %arg7[%swap3A_318, %swap3A_319, %swap3A_320, %swap3A_321], %swap3A_324 {strides = array<i32>} : memref<2x2x50x64xf32, #tpu.memory_space<vmem>>, vector<1x1x1x16xf32>,
        %scan3A_325 = arith.constant 1 : i32
        %scan3A_326 = arith.addi %scan3A_254, %scan3A_325 : i32
        %mul3A_327 = arith.constant 1 : i32
        %mul3A_328 = arith.muli %scan3A_326, %mul3A_327 : i32
        %add3A_329 = arith.constant 0 : i32
        %add3A_330 = arith.addi %add3A_329, %mul3A_328 : i32
        %add3A_331 = arith.constant 50 : i32
        %add3A_332 = arith.addi %add3A_331, %add3A_330 : i32
        %get3A_333 = arith.constant 0 : i32
        %get3A_334 = arith.index_cast %get3A_333 : i32 to index
        %get3A_335 = arith.index_cast %add3A_332 : i32 to index
        %get3A_336 = arith.constant 0 : index
        %get3A_337 = tpu.vector_load %arg6[%get3A_334, %get3A_335, %get3A_336] {strides = array<i32>} : memref<2x200x128xf32, #tpu.memory_space<vmem>>, vector<1x1x16xf32>,
        %get3A_338 = vector.shape_cast %get3A_337 : vector<1x1x16xf32> to vector<16xf32>
        %swap3A_339 = arith.constant 0 : i32
        %swap3A_340 = arith.constant 1 : i32
        %swap3A_341 = arith.index_cast %swap3A_339 : i32 to index
        %swap3A_342 = arith.index_cast %swap3A_340 : i32 to index
        %swap3A_343 = arith.index_cast %add3A_330 : i32 to index
        %swap3A_344 = arith.constant 0 : index
        %swap3A_345 = tpu.vector_load %arg7[%swap3A_341, %swap3A_342, %swap3A_343, %swap3A_344] {strides = array<i32>} : memref<2x2x50x64xf32, #tpu.memory_space<vmem>>, vector<1x1x1x16xf32>,
        %swap3A_346 = vector.shape_cast %swap3A_345 : vector<1x1x1x16xf32> to vector<16xf32>
        %swap3A_347 = vector.shape_cast %get3A_338 : vector<16xf32> to vector<1x1x1x16xf32>
        tpu.vector_store %arg7[%swap3A_341, %swap3A_342, %swap3A_343, %swap3A_344], %swap3A_347 {strides = array<i32>} : memref<2x2x50x64xf32, #tpu.memory_space<vmem>>, vector<1x1x1x16xf32>,
        %add3A_348 = arith.constant 50 : i32
        %add3A_349 = arith.addi %add3A_348, %add3A_330 : i32
        %get3A_350 = arith.constant 0 : i32
        %get3A_351 = arith.index_cast %get3A_350 : i32 to index
        %get3A_352 = arith.index_cast %add3A_349 : i32 to index
        %get3A_353 = arith.constant 16 : index
        %get3A_354 = tpu.vector_load %arg6[%get3A_351, %get3A_352, %get3A_353] {strides = array<i32>} : memref<2x200x128xf32, #tpu.memory_space<vmem>>, vector<1x1x16xf32>,
        %get3A_355 = vector.shape_cast %get3A_354 : vector<1x1x16xf32> to vector<16xf32>
        %swap3A_356 = arith.constant 0 : i32
        %swap3A_357 = arith.constant 1 : i32
        %swap3A_358 = arith.index_cast %swap3A_356 : i32 to index
        %swap3A_359 = arith.index_cast %swap3A_357 : i32 to index
        %swap3A_360 = arith.index_cast %add3A_330 : i32 to index
        %swap3A_361 = arith.constant 16 : index
        %swap3A_362 = tpu.vector_load %arg7[%swap3A_358, %swap3A_359, %swap3A_360, %swap3A_361] {strides = array<i32>} : memref<2x2x50x64xf32, #tpu.memory_space<vmem>>, vector<1x1x1x16xf32>,
        %swap3A_363 = vector.shape_cast %swap3A_362 : vector<1x1x1x16xf32> to vector<16xf32>
        %swap3A_364 = vector.shape_cast %get3A_355 : vector<16xf32> to vector<1x1x1x16xf32>
        tpu.vector_store %arg7[%swap3A_358, %swap3A_359, %swap3A_360, %swap3A_361], %swap3A_364 {strides = array<i32>} : memref<2x2x50x64xf32, #tpu.memory_space<vmem>>, vector<1x1x1x16xf32>,
        %add3A_365 = arith.constant 50 : i32
        %add3A_366 = arith.addi %add3A_365, %add3A_330 : i32
        %get3A_367 = arith.constant 0 : i32
        %get3A_368 = arith.index_cast %get3A_367 : i32 to index
        %get3A_369 = arith.index_cast %add3A_366 : i32 to index
        %get3A_370 = arith.constant 32 : index
        %get3A_371 = tpu.vector_load %arg6[%get3A_368, %get3A_369, %get3A_370] {strides = array<i32>} : memref<2x200x128xf32, #tpu.memory_space<vmem>>, vector<1x1x16xf32>,
        %get3A_372 = vector.shape_cast %get3A_371 : vector<1x1x16xf32> to vector<16xf32>
        %swap3A_373 = arith.constant 0 : i32
        %swap3A_374 = arith.constant 1 : i32
        %swap3A_375 = arith.index_cast %swap3A_373 : i32 to index
        %swap3A_376 = arith.index_cast %swap3A_374 : i32 to index
        %swap3A_377 = arith.index_cast %add3A_330 : i32 to index
        %swap3A_378 = arith.constant 32 : index
        %swap3A_379 = tpu.vector_load %arg7[%swap3A_375, %swap3A_376, %swap3A_377, %swap3A_378] {strides = array<i32>} : memref<2x2x50x64xf32, #tpu.memory_space<vmem>>, vector<1x1x1x16xf32>,
        %swap3A_380 = vector.shape_cast %swap3A_379 : vector<1x1x1x16xf32> to vector<16xf32>
        %swap3A_381 = vector.shape_cast %get3A_372 : vector<16xf32> to vector<1x1x1x16xf32>
        tpu.vector_store %arg7[%swap3A_375, %swap3A_376, %swap3A_377, %swap3A_378], %swap3A_381 {strides = array<i32>} : memref<2x2x50x64xf32, #tpu.memory_space<vmem>>, vector<1x1x1x16xf32>,
        %add3A_382 = arith.constant 50 : i32
        %add3A_383 = arith.addi %add3A_382, %add3A_330 : i32
        %get3A_384 = arith.constant 0 : i32
        %get3A_385 = arith.index_cast %get3A_384 : i32 to index
        %get3A_386 = arith.index_cast %add3A_383 : i32 to index
        %get3A_387 = arith.constant 48 : index
        %get3A_388 = tpu.vector_load %arg6[%get3A_385, %get3A_386, %get3A_387] {strides = array<i32>} : memref<2x200x128xf32, #tpu.memory_space<vmem>>, vector<1x1x16xf32>,
        %get3A_389 = vector.shape_cast %get3A_388 : vector<1x1x16xf32> to vector<16xf32>
        %swap3A_390 = arith.constant 0 : i32
        %swap3A_391 = arith.constant 1 : i32
        %swap3A_392 = arith.index_cast %swap3A_390 : i32 to index
        %swap3A_393 = arith.index_cast %swap3A_391 : i32 to index
        %swap3A_394 = arith.index_cast %add3A_330 : i32 to index
        %swap3A_395 = arith.constant 48 : index
        %swap3A_396 = tpu.vector_load %arg7[%swap3A_392, %swap3A_393, %swap3A_394, %swap3A_395] {strides = array<i32>} : memref<2x2x50x64xf32, #tpu.memory_space<vmem>>, vector<1x1x1x16xf32>,
        %swap3A_397 = vector.shape_cast %swap3A_396 : vector<1x1x1x16xf32> to vector<16xf32>
        %swap3A_398 = vector.shape_cast %get3A_389 : vector<16xf32> to vector<1x1x1x16xf32>
        tpu.vector_store %arg7[%swap3A_392, %swap3A_393, %swap3A_394, %swap3A_395], %swap3A_398 {strides = array<i32>} : memref<2x2x50x64xf32, #tpu.memory_space<vmem>>, vector<1x1x1x16xf32>,
      }
      %scan3A_94 = arith.constant 50 : i32
      %mul3A_95 = arith.constant 4 : i32
      %mul3A_96 = arith.muli %add3A_67, %mul3A_95 : i32
      %add3A_97 = arith.addi %mul3A_2, %mul3A_96 : i32
      %add3A_98 = arith.constant 0 : i32
      %add3A_99 = arith.addi %add3A_97, %add3A_98 : i32
      %dma_start3A_100 = arith.constant 0 : i32
      %dma_start3A_101 = arith.constant 0 : i32
      %dma_start3A_102 = arith.constant 0 : i32
      %dma_start3A_103 = arith.constant 0 : i32
      %dma_start3A_104 = tpu.memref_slice %arg7[%dma_start3A_100, %dma_start3A_101, %dma_start3A_102, %dma_start3A_103] : memref<2x2x50x64xf32, #tpu.memory_space<vmem>> -> memref<1x2x50x64xf32, #tpu.memory_space<vmem>>
      %dma_start3A_105 = tpu.memref_squeeze %dma_start3A_104 : memref<1x2x50x64xf32, #tpu.memory_space<vmem>> -> memref<2x50x64xf32, #tpu.memory_space<vmem>>
      %dma_start3A_106 = arith.constant 0 : i32
      %dma_start3A_107 = arith.constant 0 : i32
      %dma_start3A_108 = tpu.memref_slice %arg4[%add3A_99, %dma_start3A_106, %dma_start3A_107] : memref<16384x50x64xf32, #tpu.memory_space<hbm>> -> memref<2x50x64xf32, #tpu.memory_space<hbm>>
      %dma_start3A_109 = arith.constant 0 : i32
      %dma_start3A_110 = arith.constant 0 : i32
      %dma_start3A_111 = tpu.memref_slice %arg4[%add3A_99, %dma_start3A_109, %dma_start3A_110] : memref<16384x50x64xf32, #tpu.memory_space<hbm>> -> memref<2x50x64xf32, #tpu.memory_space<hbm>>
      %dma_start3A_112 = arith.constant 0 : i32
      %dma_start3A_113 = arith.constant 0 : i32
      %dma_start3A_114 = arith.constant 0 : i32
      %dma_start3A_115 = tpu.memref_slice %arg7[%dma_start3A_100, %dma_start3A_112, %dma_start3A_113, %dma_start3A_114] : memref<2x2x50x64xf32, #tpu.memory_space<vmem>> -> memref<1x2x50x64xf32, #tpu.memory_space<vmem>>
      %dma_start3A_116 = tpu.memref_squeeze %dma_start3A_115 : memref<1x2x50x64xf32, #tpu.memory_space<vmem>> -> memref<2x50x64xf32, #tpu.memory_space<vmem>>
      tpu.enqueue_dma source(%dma_start3A_116 : memref<2x50x64xf32, #tpu.memory_space<vmem>>) target(%dma_start3A_111 : memref<2x50x64xf32, #tpu.memory_space<hbm>>) target_semaphore(%arg10 : memref<!tpu.dma_semaphore, #tpu.memory_space<semaphore_mem>>)
      %gt3A_117 = arith.constant 0 : i32
      %gt3A_118 = arith.cmpi sgt, %add3A_67, %gt3A_117 : i32
      %convert_element_type3A_119 = arith.extui %gt3A_118 : i1 to i32
      %cond3A_120 = arith.constant 0 : i32
      %cond3A_121 = arith.cmpi ne, %convert_element_type3A_119, %cond3A_120 : i32
      scf.if %cond3A_121 {
        %dma_wait3A_254 = arith.constant 1 : i32
        %dma_wait3A_255 = arith.constant 0 : i32
        %dma_wait3A_256 = arith.constant 0 : i32
        %dma_wait3A_257 = arith.constant 0 : i32
        %dma_wait3A_258 = tpu.memref_slice %arg7[%dma_wait3A_254, %dma_wait3A_255, %dma_wait3A_256, %dma_wait3A_257] : memref<2x2x50x64xf32, #tpu.memory_space<vmem>> -> memref<1x2x50x64xf32, #tpu.memory_space<vmem>>
        %dma_wait3A_259 = tpu.memref_squeeze %dma_wait3A_258 : memref<1x2x50x64xf32, #tpu.memory_space<vmem>> -> memref<2x50x64xf32, #tpu.memory_space<vmem>>
        %dma_wait3A_260 = arith.constant 0 : i32
        %dma_wait3A_261 = arith.constant 0 : i32
        %dma_wait3A_262 = tpu.memref_slice %arg4[%mul3A_2, %dma_wait3A_260, %dma_wait3A_261] : memref<16384x50x64xf32, #tpu.memory_space<hbm>> -> memref<2x50x64xf32, #tpu.memory_space<hbm>>
        %dma_wait3A_263 = arith.constant 0 : i32
        %dma_wait3A_264 = arith.constant 0 : i32
        %dma_wait3A_265 = tpu.memref_slice %arg4[%mul3A_2, %dma_wait3A_263, %dma_wait3A_264] : memref<16384x50x64xf32, #tpu.memory_space<hbm>> -> memref<2x50x64xf32, #tpu.memory_space<hbm>>
        %dma_wait3A_266 = arith.constant 0 : i32
        %dma_wait3A_267 = arith.constant 0 : i32
        %dma_wait3A_268 = arith.constant 0 : i32
        %dma_wait3A_269 = tpu.memref_slice %arg7[%dma_wait3A_254, %dma_wait3A_266, %dma_wait3A_267, %dma_wait3A_268] : memref<2x2x50x64xf32, #tpu.memory_space<vmem>> -> memref<1x2x50x64xf32, #tpu.memory_space<vmem>>
        %dma_wait3A_270 = tpu.memref_squeeze %dma_wait3A_269 : memref<1x2x50x64xf32, #tpu.memory_space<vmem>> -> memref<2x50x64xf32, #tpu.memory_space<vmem>>
        tpu.wait_dma2 semaphore(%arg11 : memref<!tpu.dma_semaphore, #tpu.memory_space<semaphore_mem>>) src(%dma_wait3A_270 : memref<2x50x64xf32, #tpu.memory_space<vmem>>) dst(%dma_wait3A_265 : memref<2x50x64xf32, #tpu.memory_space<hbm>>)
      } else {
      }
      %scan3A_122 = arith.constant 0 : i32
      %scan3A_123 = arith.constant 50 : i32
      %scan3A_124 = arith.addi %scan3A_122, %scan3A_123 : i32
      %scan3A_125 = arith.constant 2 : i32
      scf.for %scan3A_254 = %scan3A_122 to %scan3A_124 step %scan3A_125  : i32 {
        %mul3A_255 = arith.constant 1 : i32
        %mul3A_256 = arith.muli %scan3A_254, %mul3A_255 : i32
        %add3A_257 = arith.constant 0 : i32
        %add3A_258 = arith.addi %add3A_257, %mul3A_256 : i32
        %add3A_259 = arith.constant 100 : i32
        %add3A_260 = arith.addi %add3A_259, %add3A_258 : i32
        %get3A = arith.constant 0 : i32
        %get3A_261 = arith.index_cast %get3A : i32 to index
        %get3A_262 = arith.index_cast %add3A_260 : i32 to index
        %get3A_263 = arith.constant 0 : index
        %get3A_264 = tpu.vector_load %arg6[%get3A_261, %get3A_262, %get3A_263] {strides = array<i32>} : memref<2x200x128xf32, #tpu.memory_space<vmem>>, vector<1x1x16xf32>,
        %get3A_265 = vector.shape_cast %get3A_264 : vector<1x1x16xf32> to vector<16xf32>
        %swap3A = arith.constant 1 : i32
        %swap3A_266 = arith.constant 0 : i32
        %swap3A_267 = arith.index_cast %swap3A : i32 to index
        %swap3A_268 = arith.index_cast %swap3A_266 : i32 to index
        %swap3A_269 = arith.index_cast %add3A_258 : i32 to index
        %swap3A_270 = arith.constant 0 : index
        %swap3A_271 = tpu.vector_load %arg7[%swap3A_267, %swap3A_268, %swap3A_269, %swap3A_270] {strides = array<i32>} : memref<2x2x50x64xf32, #tpu.memory_space<vmem>>, vector<1x1x1x16xf32>,
        %swap3A_272 = vector.shape_cast %swap3A_271 : vector<1x1x1x16xf32> to vector<16xf32>
        %swap3A_273 = vector.shape_cast %get3A_265 : vector<16xf32> to vector<1x1x1x16xf32>
        tpu.vector_store %arg7[%swap3A_267, %swap3A_268, %swap3A_269, %swap3A_270], %swap3A_273 {strides = array<i32>} : memref<2x2x50x64xf32, #tpu.memory_space<vmem>>, vector<1x1x1x16xf32>,
        %add3A_274 = arith.constant 100 : i32
        %add3A_275 = arith.addi %add3A_274, %add3A_258 : i32
        %get3A_276 = arith.constant 0 : i32
        %get3A_277 = arith.index_cast %get3A_276 : i32 to index
        %get3A_278 = arith.index_cast %add3A_275 : i32 to index
        %get3A_279 = arith.constant 16 : index
        %get3A_280 = tpu.vector_load %arg6[%get3A_277, %get3A_278, %get3A_279] {strides = array<i32>} : memref<2x200x128xf32, #tpu.memory_space<vmem>>, vector<1x1x16xf32>,
        %get3A_281 = vector.shape_cast %get3A_280 : vector<1x1x16xf32> to vector<16xf32>
        %swap3A_282 = arith.constant 1 : i32
        %swap3A_283 = arith.constant 0 : i32
        %swap3A_284 = arith.index_cast %swap3A_282 : i32 to index
        %swap3A_285 = arith.index_cast %swap3A_283 : i32 to index
        %swap3A_286 = arith.index_cast %add3A_258 : i32 to index
        %swap3A_287 = arith.constant 16 : index
        %swap3A_288 = tpu.vector_load %arg7[%swap3A_284, %swap3A_285, %swap3A_286, %swap3A_287] {strides = array<i32>} : memref<2x2x50x64xf32, #tpu.memory_space<vmem>>, vector<1x1x1x16xf32>,
        %swap3A_289 = vector.shape_cast %swap3A_288 : vector<1x1x1x16xf32> to vector<16xf32>
        %swap3A_290 = vector.shape_cast %get3A_281 : vector<16xf32> to vector<1x1x1x16xf32>
        tpu.vector_store %arg7[%swap3A_284, %swap3A_285, %swap3A_286, %swap3A_287], %swap3A_290 {strides = array<i32>} : memref<2x2x50x64xf32, #tpu.memory_space<vmem>>, vector<1x1x1x16xf32>,
        %add3A_291 = arith.constant 100 : i32
        %add3A_292 = arith.addi %add3A_291, %add3A_258 : i32
        %get3A_293 = arith.constant 0 : i32
        %get3A_294 = arith.index_cast %get3A_293 : i32 to index
        %get3A_295 = arith.index_cast %add3A_292 : i32 to index
        %get3A_296 = arith.constant 32 : index
        %get3A_297 = tpu.vector_load %arg6[%get3A_294, %get3A_295, %get3A_296] {strides = array<i32>} : memref<2x200x128xf32, #tpu.memory_space<vmem>>, vector<1x1x16xf32>,
        %get3A_298 = vector.shape_cast %get3A_297 : vector<1x1x16xf32> to vector<16xf32>
        %swap3A_299 = arith.constant 1 : i32
        %swap3A_300 = arith.constant 0 : i32
        %swap3A_301 = arith.index_cast %swap3A_299 : i32 to index
        %swap3A_302 = arith.index_cast %swap3A_300 : i32 to index
        %swap3A_303 = arith.index_cast %add3A_258 : i32 to index
        %swap3A_304 = arith.constant 32 : index
        %swap3A_305 = tpu.vector_load %arg7[%swap3A_301, %swap3A_302, %swap3A_303, %swap3A_304] {strides = array<i32>} : memref<2x2x50x64xf32, #tpu.memory_space<vmem>>, vector<1x1x1x16xf32>,
        %swap3A_306 = vector.shape_cast %swap3A_305 : vector<1x1x1x16xf32> to vector<16xf32>
        %swap3A_307 = vector.shape_cast %get3A_298 : vector<16xf32> to vector<1x1x1x16xf32>
        tpu.vector_store %arg7[%swap3A_301, %swap3A_302, %swap3A_303, %swap3A_304], %swap3A_307 {strides = array<i32>} : memref<2x2x50x64xf32, #tpu.memory_space<vmem>>, vector<1x1x1x16xf32>,
        %add3A_308 = arith.constant 100 : i32
        %add3A_309 = arith.addi %add3A_308, %add3A_258 : i32
        %get3A_310 = arith.constant 0 : i32
        %get3A_311 = arith.index_cast %get3A_310 : i32 to index
        %get3A_312 = arith.index_cast %add3A_309 : i32 to index
        %get3A_313 = arith.constant 48 : index
        %get3A_314 = tpu.vector_load %arg6[%get3A_311, %get3A_312, %get3A_313] {strides = array<i32>} : memref<2x200x128xf32, #tpu.memory_space<vmem>>, vector<1x1x16xf32>,
        %get3A_315 = vector.shape_cast %get3A_314 : vector<1x1x16xf32> to vector<16xf32>
        %swap3A_316 = arith.constant 1 : i32
        %swap3A_317 = arith.constant 0 : i32
        %swap3A_318 = arith.index_cast %swap3A_316 : i32 to index
        %swap3A_319 = arith.index_cast %swap3A_317 : i32 to index
        %swap3A_320 = arith.index_cast %add3A_258 : i32 to index
        %swap3A_321 = arith.constant 48 : index
        %swap3A_322 = tpu.vector_load %arg7[%swap3A_318, %swap3A_319, %swap3A_320, %swap3A_321] {strides = array<i32>} : memref<2x2x50x64xf32, #tpu.memory_space<vmem>>, vector<1x1x1x16xf32>,
        %swap3A_323 = vector.shape_cast %swap3A_322 : vector<1x1x1x16xf32> to vector<16xf32>
        %swap3A_324 = vector.shape_cast %get3A_315 : vector<16xf32> to vector<1x1x1x16xf32>
        tpu.vector_store %arg7[%swap3A_318, %swap3A_319, %swap3A_320, %swap3A_321], %swap3A_324 {strides = array<i32>} : memref<2x2x50x64xf32, #tpu.memory_space<vmem>>, vector<1x1x1x16xf32>,
        %scan3A_325 = arith.constant 1 : i32
        %scan3A_326 = arith.addi %scan3A_254, %scan3A_325 : i32
        %mul3A_327 = arith.constant 1 : i32
        %mul3A_328 = arith.muli %scan3A_326, %mul3A_327 : i32
        %add3A_329 = arith.constant 0 : i32
        %add3A_330 = arith.addi %add3A_329, %mul3A_328 : i32
        %add3A_331 = arith.constant 100 : i32
        %add3A_332 = arith.addi %add3A_331, %add3A_330 : i32
        %get3A_333 = arith.constant 0 : i32
        %get3A_334 = arith.index_cast %get3A_333 : i32 to index
        %get3A_335 = arith.index_cast %add3A_332 : i32 to index
        %get3A_336 = arith.constant 0 : index
        %get3A_337 = tpu.vector_load %arg6[%get3A_334, %get3A_335, %get3A_336] {strides = array<i32>} : memref<2x200x128xf32, #tpu.memory_space<vmem>>, vector<1x1x16xf32>,
        %get3A_338 = vector.shape_cast %get3A_337 : vector<1x1x16xf32> to vector<16xf32>
        %swap3A_339 = arith.constant 1 : i32
        %swap3A_340 = arith.constant 0 : i32
        %swap3A_341 = arith.index_cast %swap3A_339 : i32 to index
        %swap3A_342 = arith.index_cast %swap3A_340 : i32 to index
        %swap3A_343 = arith.index_cast %add3A_330 : i32 to index
        %swap3A_344 = arith.constant 0 : index
        %swap3A_345 = tpu.vector_load %arg7[%swap3A_341, %swap3A_342, %swap3A_343, %swap3A_344] {strides = array<i32>} : memref<2x2x50x64xf32, #tpu.memory_space<vmem>>, vector<1x1x1x16xf32>,
        %swap3A_346 = vector.shape_cast %swap3A_345 : vector<1x1x1x16xf32> to vector<16xf32>
        %swap3A_347 = vector.shape_cast %get3A_338 : vector<16xf32> to vector<1x1x1x16xf32>
        tpu.vector_store %arg7[%swap3A_341, %swap3A_342, %swap3A_343, %swap3A_344], %swap3A_347 {strides = array<i32>} : memref<2x2x50x64xf32, #tpu.memory_space<vmem>>, vector<1x1x1x16xf32>,
        %add3A_348 = arith.constant 100 : i32
        %add3A_349 = arith.addi %add3A_348, %add3A_330 : i32
        %get3A_350 = arith.constant 0 : i32
        %get3A_351 = arith.index_cast %get3A_350 : i32 to index
        %get3A_352 = arith.index_cast %add3A_349 : i32 to index
        %get3A_353 = arith.constant 16 : index
        %get3A_354 = tpu.vector_load %arg6[%get3A_351, %get3A_352, %get3A_353] {strides = array<i32>} : memref<2x200x128xf32, #tpu.memory_space<vmem>>, vector<1x1x16xf32>,
        %get3A_355 = vector.shape_cast %get3A_354 : vector<1x1x16xf32> to vector<16xf32>
        %swap3A_356 = arith.constant 1 : i32
        %swap3A_357 = arith.constant 0 : i32
        %swap3A_358 = arith.index_cast %swap3A_356 : i32 to index
        %swap3A_359 = arith.index_cast %swap3A_357 : i32 to index
        %swap3A_360 = arith.index_cast %add3A_330 : i32 to index
        %swap3A_361 = arith.constant 16 : index
        %swap3A_362 = tpu.vector_load %arg7[%swap3A_358, %swap3A_359, %swap3A_360, %swap3A_361] {strides = array<i32>} : memref<2x2x50x64xf32, #tpu.memory_space<vmem>>, vector<1x1x1x16xf32>,
        %swap3A_363 = vector.shape_cast %swap3A_362 : vector<1x1x1x16xf32> to vector<16xf32>
        %swap3A_364 = vector.shape_cast %get3A_355 : vector<16xf32> to vector<1x1x1x16xf32>
        tpu.vector_store %arg7[%swap3A_358, %swap3A_359, %swap3A_360, %swap3A_361], %swap3A_364 {strides = array<i32>} : memref<2x2x50x64xf32, #tpu.memory_space<vmem>>, vector<1x1x1x16xf32>,
        %add3A_365 = arith.constant 100 : i32
        %add3A_366 = arith.addi %add3A_365, %add3A_330 : i32
        %get3A_367 = arith.constant 0 : i32
        %get3A_368 = arith.index_cast %get3A_367 : i32 to index
        %get3A_369 = arith.index_cast %add3A_366 : i32 to index
        %get3A_370 = arith.constant 32 : index
        %get3A_371 = tpu.vector_load %arg6[%get3A_368, %get3A_369, %get3A_370] {strides = array<i32>} : memref<2x200x128xf32, #tpu.memory_space<vmem>>, vector<1x1x16xf32>,
        %get3A_372 = vector.shape_cast %get3A_371 : vector<1x1x16xf32> to vector<16xf32>
        %swap3A_373 = arith.constant 1 : i32
        %swap3A_374 = arith.constant 0 : i32
        %swap3A_375 = arith.index_cast %swap3A_373 : i32 to index
        %swap3A_376 = arith.index_cast %swap3A_374 : i32 to index
        %swap3A_377 = arith.index_cast %add3A_330 : i32 to index
        %swap3A_378 = arith.constant 32 : index
        %swap3A_379 = tpu.vector_load %arg7[%swap3A_375, %swap3A_376, %swap3A_377, %swap3A_378] {strides = array<i32>} : memref<2x2x50x64xf32, #tpu.memory_space<vmem>>, vector<1x1x1x16xf32>,
        %swap3A_380 = vector.shape_cast %swap3A_379 : vector<1x1x1x16xf32> to vector<16xf32>
        %swap3A_381 = vector.shape_cast %get3A_372 : vector<16xf32> to vector<1x1x1x16xf32>
        tpu.vector_store %arg7[%swap3A_375, %swap3A_376, %swap3A_377, %swap3A_378], %swap3A_381 {strides = array<i32>} : memref<2x2x50x64xf32, #tpu.memory_space<vmem>>, vector<1x1x1x16xf32>,
        %add3A_382 = arith.constant 100 : i32
        %add3A_383 = arith.addi %add3A_382, %add3A_330 : i32
        %get3A_384 = arith.constant 0 : i32
        %get3A_385 = arith.index_cast %get3A_384 : i32 to index
        %get3A_386 = arith.index_cast %add3A_383 : i32 to index
        %get3A_387 = arith.constant 48 : index
        %get3A_388 = tpu.vector_load %arg6[%get3A_385, %get3A_386, %get3A_387] {strides = array<i32>} : memref<2x200x128xf32, #tpu.memory_space<vmem>>, vector<1x1x16xf32>,
        %get3A_389 = vector.shape_cast %get3A_388 : vector<1x1x16xf32> to vector<16xf32>
        %swap3A_390 = arith.constant 1 : i32
        %swap3A_391 = arith.constant 0 : i32
        %swap3A_392 = arith.index_cast %swap3A_390 : i32 to index
        %swap3A_393 = arith.index_cast %swap3A_391 : i32 to index
        %swap3A_394 = arith.index_cast %add3A_330 : i32 to index
        %swap3A_395 = arith.constant 48 : index
        %swap3A_396 = tpu.vector_load %arg7[%swap3A_392, %swap3A_393, %swap3A_394, %swap3A_395] {strides = array<i32>} : memref<2x2x50x64xf32, #tpu.memory_space<vmem>>, vector<1x1x1x16xf32>,
        %swap3A_397 = vector.shape_cast %swap3A_396 : vector<1x1x1x16xf32> to vector<16xf32>
        %swap3A_398 = vector.shape_cast %get3A_389 : vector<16xf32> to vector<1x1x1x16xf32>
        tpu.vector_store %arg7[%swap3A_392, %swap3A_393, %swap3A_394, %swap3A_395], %swap3A_398 {strides = array<i32>} : memref<2x2x50x64xf32, #tpu.memory_space<vmem>>, vector<1x1x1x16xf32>,
      }
      %scan3A_126 = arith.constant 50 : i32
      %scan3A_127 = arith.constant 0 : i32
      %scan3A_128 = arith.constant 50 : i32
      %scan3A_129 = arith.addi %scan3A_127, %scan3A_128 : i32
      %scan3A_130 = arith.constant 2 : i32
      scf.for %scan3A_254 = %scan3A_127 to %scan3A_129 step %scan3A_130  : i32 {
        %mul3A_255 = arith.constant 1 : i32
        %mul3A_256 = arith.muli %scan3A_254, %mul3A_255 : i32
        %add3A_257 = arith.constant 0 : i32
        %add3A_258 = arith.addi %add3A_257, %mul3A_256 : i32
        %add3A_259 = arith.constant 150 : i32
        %add3A_260 = arith.addi %add3A_259, %add3A_258 : i32
        %get3A = arith.constant 0 : i32
        %get3A_261 = arith.index_cast %get3A : i32 to index
        %get3A_262 = arith.index_cast %add3A_260 : i32 to index
        %get3A_263 = arith.constant 0 : index
        %get3A_264 = tpu.vector_load %arg6[%get3A_261, %get3A_262, %get3A_263] {strides = array<i32>} : memref<2x200x128xf32, #tpu.memory_space<vmem>>, vector<1x1x16xf32>,
        %get3A_265 = vector.shape_cast %get3A_264 : vector<1x1x16xf32> to vector<16xf32>
        %swap3A = arith.constant 1 : i32
        %swap3A_266 = arith.constant 1 : i32
        %swap3A_267 = arith.index_cast %swap3A : i32 to index
        %swap3A_268 = arith.index_cast %swap3A_266 : i32 to index
        %swap3A_269 = arith.index_cast %add3A_258 : i32 to index
        %swap3A_270 = arith.constant 0 : index
        %swap3A_271 = tpu.vector_load %arg7[%swap3A_267, %swap3A_268, %swap3A_269, %swap3A_270] {strides = array<i32>} : memref<2x2x50x64xf32, #tpu.memory_space<vmem>>, vector<1x1x1x16xf32>,
        %swap3A_272 = vector.shape_cast %swap3A_271 : vector<1x1x1x16xf32> to vector<16xf32>
        %swap3A_273 = vector.shape_cast %get3A_265 : vector<16xf32> to vector<1x1x1x16xf32>
        tpu.vector_store %arg7[%swap3A_267, %swap3A_268, %swap3A_269, %swap3A_270], %swap3A_273 {strides = array<i32>} : memref<2x2x50x64xf32, #tpu.memory_space<vmem>>, vector<1x1x1x16xf32>,
        %add3A_274 = arith.constant 150 : i32
        %add3A_275 = arith.addi %add3A_274, %add3A_258 : i32
        %get3A_276 = arith.constant 0 : i32
        %get3A_277 = arith.index_cast %get3A_276 : i32 to index
        %get3A_278 = arith.index_cast %add3A_275 : i32 to index
        %get3A_279 = arith.constant 16 : index
        %get3A_280 = tpu.vector_load %arg6[%get3A_277, %get3A_278, %get3A_279] {strides = array<i32>} : memref<2x200x128xf32, #tpu.memory_space<vmem>>, vector<1x1x16xf32>,
        %get3A_281 = vector.shape_cast %get3A_280 : vector<1x1x16xf32> to vector<16xf32>
        %swap3A_282 = arith.constant 1 : i32
        %swap3A_283 = arith.constant 1 : i32
        %swap3A_284 = arith.index_cast %swap3A_282 : i32 to index
        %swap3A_285 = arith.index_cast %swap3A_283 : i32 to index
        %swap3A_286 = arith.index_cast %add3A_258 : i32 to index
        %swap3A_287 = arith.constant 16 : index
        %swap3A_288 = tpu.vector_load %arg7[%swap3A_284, %swap3A_285, %swap3A_286, %swap3A_287] {strides = array<i32>} : memref<2x2x50x64xf32, #tpu.memory_space<vmem>>, vector<1x1x1x16xf32>,
        %swap3A_289 = vector.shape_cast %swap3A_288 : vector<1x1x1x16xf32> to vector<16xf32>
        %swap3A_290 = vector.shape_cast %get3A_281 : vector<16xf32> to vector<1x1x1x16xf32>
        tpu.vector_store %arg7[%swap3A_284, %swap3A_285, %swap3A_286, %swap3A_287], %swap3A_290 {strides = array<i32>} : memref<2x2x50x64xf32, #tpu.memory_space<vmem>>, vector<1x1x1x16xf32>,
        %add3A_291 = arith.constant 150 : i32
        %add3A_292 = arith.addi %add3A_291, %add3A_258 : i32
        %get3A_293 = arith.constant 0 : i32
        %get3A_294 = arith.index_cast %get3A_293 : i32 to index
        %get3A_295 = arith.index_cast %add3A_292 : i32 to index
        %get3A_296 = arith.constant 32 : index
        %get3A_297 = tpu.vector_load %arg6[%get3A_294, %get3A_295, %get3A_296] {strides = array<i32>} : memref<2x200x128xf32, #tpu.memory_space<vmem>>, vector<1x1x16xf32>,
        %get3A_298 = vector.shape_cast %get3A_297 : vector<1x1x16xf32> to vector<16xf32>
        %swap3A_299 = arith.constant 1 : i32
        %swap3A_300 = arith.constant 1 : i32
        %swap3A_301 = arith.index_cast %swap3A_299 : i32 to index
        %swap3A_302 = arith.index_cast %swap3A_300 : i32 to index
        %swap3A_303 = arith.index_cast %add3A_258 : i32 to index
        %swap3A_304 = arith.constant 32 : index
        %swap3A_305 = tpu.vector_load %arg7[%swap3A_301, %swap3A_302, %swap3A_303, %swap3A_304] {strides = array<i32>} : memref<2x2x50x64xf32, #tpu.memory_space<vmem>>, vector<1x1x1x16xf32>,
        %swap3A_306 = vector.shape_cast %swap3A_305 : vector<1x1x1x16xf32> to vector<16xf32>
        %swap3A_307 = vector.shape_cast %get3A_298 : vector<16xf32> to vector<1x1x1x16xf32>
        tpu.vector_store %arg7[%swap3A_301, %swap3A_302, %swap3A_303, %swap3A_304], %swap3A_307 {strides = array<i32>} : memref<2x2x50x64xf32, #tpu.memory_space<vmem>>, vector<1x1x1x16xf32>,
        %add3A_308 = arith.constant 150 : i32
        %add3A_309 = arith.addi %add3A_308, %add3A_258 : i32
        %get3A_310 = arith.constant 0 : i32
        %get3A_311 = arith.index_cast %get3A_310 : i32 to index
        %get3A_312 = arith.index_cast %add3A_309 : i32 to index
        %get3A_313 = arith.constant 48 : index
        %get3A_314 = tpu.vector_load %arg6[%get3A_311, %get3A_312, %get3A_313] {strides = array<i32>} : memref<2x200x128xf32, #tpu.memory_space<vmem>>, vector<1x1x16xf32>,
        %get3A_315 = vector.shape_cast %get3A_314 : vector<1x1x16xf32> to vector<16xf32>
        %swap3A_316 = arith.constant 1 : i32
        %swap3A_317 = arith.constant 1 : i32
        %swap3A_318 = arith.index_cast %swap3A_316 : i32 to index
        %swap3A_319 = arith.index_cast %swap3A_317 : i32 to index
        %swap3A_320 = arith.index_cast %add3A_258 : i32 to index
        %swap3A_321 = arith.constant 48 : index
        %swap3A_322 = tpu.vector_load %arg7[%swap3A_318, %swap3A_319, %swap3A_320, %swap3A_321] {strides = array<i32>} : memref<2x2x50x64xf32, #tpu.memory_space<vmem>>, vector<1x1x1x16xf32>,
        %swap3A_323 = vector.shape_cast %swap3A_322 : vector<1x1x1x16xf32> to vector<16xf32>
        %swap3A_324 = vector.shape_cast %get3A_315 : vector<16xf32> to vector<1x1x1x16xf32>
        tpu.vector_store %arg7[%swap3A_318, %swap3A_319, %swap3A_320, %swap3A_321], %swap3A_324 {strides = array<i32>} : memref<2x2x50x64xf32, #tpu.memory_space<vmem>>, vector<1x1x1x16xf32>,
        %scan3A_325 = arith.constant 1 : i32
        %scan3A_326 = arith.addi %scan3A_254, %scan3A_325 : i32
        %mul3A_327 = arith.constant 1 : i32
        %mul3A_328 = arith.muli %scan3A_326, %mul3A_327 : i32
        %add3A_329 = arith.constant 0 : i32
        %add3A_330 = arith.addi %add3A_329, %mul3A_328 : i32
        %add3A_331 = arith.constant 150 : i32
        %add3A_332 = arith.addi %add3A_331, %add3A_330 : i32
        %get3A_333 = arith.constant 0 : i32
        %get3A_334 = arith.index_cast %get3A_333 : i32 to index
        %get3A_335 = arith.index_cast %add3A_332 : i32 to index
        %get3A_336 = arith.constant 0 : index
        %get3A_337 = tpu.vector_load %arg6[%get3A_334, %get3A_335, %get3A_336] {strides = array<i32>} : memref<2x200x128xf32, #tpu.memory_space<vmem>>, vector<1x1x16xf32>,
        %get3A_338 = vector.shape_cast %get3A_337 : vector<1x1x16xf32> to vector<16xf32>
        %swap3A_339 = arith.constant 1 : i32
        %swap3A_340 = arith.constant 1 : i32
        %swap3A_341 = arith.index_cast %swap3A_339 : i32 to index
        %swap3A_342 = arith.index_cast %swap3A_340 : i32 to index
        %swap3A_343 = arith.index_cast %add3A_330 : i32 to index
        %swap3A_344 = arith.constant 0 : index
        %swap3A_345 = tpu.vector_load %arg7[%swap3A_341, %swap3A_342, %swap3A_343, %swap3A_344] {strides = array<i32>} : memref<2x2x50x64xf32, #tpu.memory_space<vmem>>, vector<1x1x1x16xf32>,
        %swap3A_346 = vector.shape_cast %swap3A_345 : vector<1x1x1x16xf32> to vector<16xf32>
        %swap3A_347 = vector.shape_cast %get3A_338 : vector<16xf32> to vector<1x1x1x16xf32>
        tpu.vector_store %arg7[%swap3A_341, %swap3A_342, %swap3A_343, %swap3A_344], %swap3A_347 {strides = array<i32>} : memref<2x2x50x64xf32, #tpu.memory_space<vmem>>, vector<1x1x1x16xf32>,
        %add3A_348 = arith.constant 150 : i32
        %add3A_349 = arith.addi %add3A_348, %add3A_330 : i32
        %get3A_350 = arith.constant 0 : i32
        %get3A_351 = arith.index_cast %get3A_350 : i32 to index
        %get3A_352 = arith.index_cast %add3A_349 : i32 to index
        %get3A_353 = arith.constant 16 : index
        %get3A_354 = tpu.vector_load %arg6[%get3A_351, %get3A_352, %get3A_353] {strides = array<i32>} : memref<2x200x128xf32, #tpu.memory_space<vmem>>, vector<1x1x16xf32>,
        %get3A_355 = vector.shape_cast %get3A_354 : vector<1x1x16xf32> to vector<16xf32>
        %swap3A_356 = arith.constant 1 : i32
        %swap3A_357 = arith.constant 1 : i32
        %swap3A_358 = arith.index_cast %swap3A_356 : i32 to index
        %swap3A_359 = arith.index_cast %swap3A_357 : i32 to index
        %swap3A_360 = arith.index_cast %add3A_330 : i32 to index
        %swap3A_361 = arith.constant 16 : index
        %swap3A_362 = tpu.vector_load %arg7[%swap3A_358, %swap3A_359, %swap3A_360, %swap3A_361] {strides = array<i32>} : memref<2x2x50x64xf32, #tpu.memory_space<vmem>>, vector<1x1x1x16xf32>,
        %swap3A_363 = vector.shape_cast %swap3A_362 : vector<1x1x1x16xf32> to vector<16xf32>
        %swap3A_364 = vector.shape_cast %get3A_355 : vector<16xf32> to vector<1x1x1x16xf32>
        tpu.vector_store %arg7[%swap3A_358, %swap3A_359, %swap3A_360, %swap3A_361], %swap3A_364 {strides = array<i32>} : memref<2x2x50x64xf32, #tpu.memory_space<vmem>>, vector<1x1x1x16xf32>,
        %add3A_365 = arith.constant 150 : i32
        %add3A_366 = arith.addi %add3A_365, %add3A_330 : i32
        %get3A_367 = arith.constant 0 : i32
        %get3A_368 = arith.index_cast %get3A_367 : i32 to index
        %get3A_369 = arith.index_cast %add3A_366 : i32 to index
        %get3A_370 = arith.constant 32 : index
        %get3A_371 = tpu.vector_load %arg6[%get3A_368, %get3A_369, %get3A_370] {strides = array<i32>} : memref<2x200x128xf32, #tpu.memory_space<vmem>>, vector<1x1x16xf32>,
        %get3A_372 = vector.shape_cast %get3A_371 : vector<1x1x16xf32> to vector<16xf32>
        %swap3A_373 = arith.constant 1 : i32
        %swap3A_374 = arith.constant 1 : i32
        %swap3A_375 = arith.index_cast %swap3A_373 : i32 to index
        %swap3A_376 = arith.index_cast %swap3A_374 : i32 to index
        %swap3A_377 = arith.index_cast %add3A_330 : i32 to index
        %swap3A_378 = arith.constant 32 : index
        %swap3A_379 = tpu.vector_load %arg7[%swap3A_375, %swap3A_376, %swap3A_377, %swap3A_378] {strides = array<i32>} : memref<2x2x50x64xf32, #tpu.memory_space<vmem>>, vector<1x1x1x16xf32>,
        %swap3A_380 = vector.shape_cast %swap3A_379 : vector<1x1x1x16xf32> to vector<16xf32>
        %swap3A_381 = vector.shape_cast %get3A_372 : vector<16xf32> to vector<1x1x1x16xf32>
        tpu.vector_store %arg7[%swap3A_375, %swap3A_376, %swap3A_377, %swap3A_378], %swap3A_381 {strides = array<i32>} : memref<2x2x50x64xf32, #tpu.memory_space<vmem>>, vector<1x1x1x16xf32>,
        %add3A_382 = arith.constant 150 : i32
        %add3A_383 = arith.addi %add3A_382, %add3A_330 : i32
        %get3A_384 = arith.constant 0 : i32
        %get3A_385 = arith.index_cast %get3A_384 : i32 to index
        %get3A_386 = arith.index_cast %add3A_383 : i32 to index
        %get3A_387 = arith.constant 48 : index
        %get3A_388 = tpu.vector_load %arg6[%get3A_385, %get3A_386, %get3A_387] {strides = array<i32>} : memref<2x200x128xf32, #tpu.memory_space<vmem>>, vector<1x1x16xf32>,
        %get3A_389 = vector.shape_cast %get3A_388 : vector<1x1x16xf32> to vector<16xf32>
        %swap3A_390 = arith.constant 1 : i32
        %swap3A_391 = arith.constant 1 : i32
        %swap3A_392 = arith.index_cast %swap3A_390 : i32 to index
        %swap3A_393 = arith.index_cast %swap3A_391 : i32 to index
        %swap3A_394 = arith.index_cast %add3A_330 : i32 to index
        %swap3A_395 = arith.constant 48 : index
        %swap3A_396 = tpu.vector_load %arg7[%swap3A_392, %swap3A_393, %swap3A_394, %swap3A_395] {strides = array<i32>} : memref<2x2x50x64xf32, #tpu.memory_space<vmem>>, vector<1x1x1x16xf32>,
        %swap3A_397 = vector.shape_cast %swap3A_396 : vector<1x1x1x16xf32> to vector<16xf32>
        %swap3A_398 = vector.shape_cast %get3A_389 : vector<16xf32> to vector<1x1x1x16xf32>
        tpu.vector_store %arg7[%swap3A_392, %swap3A_393, %swap3A_394, %swap3A_395], %swap3A_398 {strides = array<i32>} : memref<2x2x50x64xf32, #tpu.memory_space<vmem>>, vector<1x1x1x16xf32>,
      }
      %scan3A_131 = arith.constant 50 : i32
      %mul3A_132 = arith.constant 4 : i32
      %mul3A_133 = arith.muli %add3A_67, %mul3A_132 : i32
      %add3A_134 = arith.addi %mul3A_2, %mul3A_133 : i32
      %add3A_135 = arith.constant 2 : i32
      %add3A_136 = arith.addi %add3A_134, %add3A_135 : i32
      %dma_start3A_137 = arith.constant 1 : i32
      %dma_start3A_138 = arith.constant 0 : i32
      %dma_start3A_139 = arith.constant 0 : i32
      %dma_start3A_140 = arith.constant 0 : i32
      %dma_start3A_141 = tpu.memref_slice %arg7[%dma_start3A_137, %dma_start3A_138, %dma_start3A_139, %dma_start3A_140] : memref<2x2x50x64xf32, #tpu.memory_space<vmem>> -> memref<1x2x50x64xf32, #tpu.memory_space<vmem>>
      %dma_start3A_142 = tpu.memref_squeeze %dma_start3A_141 : memref<1x2x50x64xf32, #tpu.memory_space<vmem>> -> memref<2x50x64xf32, #tpu.memory_space<vmem>>
      %dma_start3A_143 = arith.constant 0 : i32
      %dma_start3A_144 = arith.constant 0 : i32
      %dma_start3A_145 = tpu.memref_slice %arg4[%add3A_136, %dma_start3A_143, %dma_start3A_144] : memref<16384x50x64xf32, #tpu.memory_space<hbm>> -> memref<2x50x64xf32, #tpu.memory_space<hbm>>
      %dma_start3A_146 = arith.constant 0 : i32
      %dma_start3A_147 = arith.constant 0 : i32
      %dma_start3A_148 = tpu.memref_slice %arg4[%add3A_136, %dma_start3A_146, %dma_start3A_147] : memref<16384x50x64xf32, #tpu.memory_space<hbm>> -> memref<2x50x64xf32, #tpu.memory_space<hbm>>
      %dma_start3A_149 = arith.constant 0 : i32
      %dma_start3A_150 = arith.constant 0 : i32
      %dma_start3A_151 = arith.constant 0 : i32
      %dma_start3A_152 = tpu.memref_slice %arg7[%dma_start3A_137, %dma_start3A_149, %dma_start3A_150, %dma_start3A_151] : memref<2x2x50x64xf32, #tpu.memory_space<vmem>> -> memref<1x2x50x64xf32, #tpu.memory_space<vmem>>
      %dma_start3A_153 = tpu.memref_squeeze %dma_start3A_152 : memref<1x2x50x64xf32, #tpu.memory_space<vmem>> -> memref<2x50x64xf32, #tpu.memory_space<vmem>>
      tpu.enqueue_dma source(%dma_start3A_153 : memref<2x50x64xf32, #tpu.memory_space<vmem>>) target(%dma_start3A_148 : memref<2x50x64xf32, #tpu.memory_space<hbm>>) target_semaphore(%arg11 : memref<!tpu.dma_semaphore, #tpu.memory_space<semaphore_mem>>)
      %lt3A = arith.constant 126 : i32
      %lt3A_154 = arith.cmpi slt, %add3A_67, %lt3A : i32
      %convert_element_type3A_155 = arith.extui %lt3A_154 : i1 to i32
      %cond3A_156 = arith.constant 0 : i32
      %cond3A_157 = arith.cmpi ne, %convert_element_type3A_155, %cond3A_156 : i32
      scf.if %cond3A_157 {
        %add3A_254 = arith.constant 2 : i32
        %add3A_255 = arith.addi %add3A_67, %add3A_254 : i32
        %mul3A_256 = arith.constant 200 : i32
        %mul3A_257 = arith.muli %add3A_255, %mul3A_256 : i32
        %dma_start3A_258 = arith.constant 0 : i32
        %dma_start3A_259 = arith.constant 0 : i32
        %dma_start3A_260 = arith.constant 0 : i32
        %dma_start3A_261 = tpu.memref_slice %arg6[%dma_start3A_258, %dma_start3A_259, %dma_start3A_260] : memref<2x200x128xf32, #tpu.memory_space<vmem>> -> memref<1x200x128xf32, #tpu.memory_space<vmem>>
        %dma_start3A_262 = tpu.memref_squeeze %dma_start3A_261 : memref<1x200x128xf32, #tpu.memory_space<vmem>> -> memref<200x128xf32, #tpu.memory_space<vmem>>
        %dma_start3A_263 = tpu.memref_slice %arg5[%mul3A_257] : memref<25600xi32, #tpu.memory_space<vmem>> -> memref<200xi32, #tpu.memory_space<vmem>>
        %dma_start3A_264 = arith.constant 0 : i32
        %dma_start3A_265 = arith.constant 0 : i32
        %dma_start3A_266 = tpu.memref_slice %arg2[%dma_start3A_264, %dma_start3A_265] : memref<100000x128xf32, #tpu.memory_space<hbm>> -> memref<100000x128xf32, #tpu.memory_space<hbm>>
        tpu.enqueue_indirect_dma source(%dma_start3A_266 : memref<100000x128xf32, #tpu.memory_space<hbm>>) target(%dma_start3A_262 : memref<200x128xf32, #tpu.memory_space<vmem>>) offsets(%dma_start3A_263 : memref<200xi32, #tpu.memory_space<vmem>>) semaphore(%arg8 : memref<!tpu.dma_semaphore, #tpu.memory_space<semaphore_mem>>)
      } else {
      }
      %add3A_158 = arith.constant 1 : i32
      %add3A_159 = arith.addi %add3A_65, %add3A_158 : i32
      %dma_wait3A_160 = arith.constant 1 : i32
      %dma_wait3A_161 = arith.constant 0 : i32
      %dma_wait3A_162 = arith.constant 0 : i32
      %dma_wait3A_163 = tpu.memref_slice %arg6[%dma_wait3A_160, %dma_wait3A_161, %dma_wait3A_162] : memref<2x200x128xf32, #tpu.memory_space<vmem>> -> memref<1x200x128xf32, #tpu.memory_space<vmem>>
      %dma_wait3A_164 = tpu.memref_squeeze %dma_wait3A_163 : memref<1x200x128xf32, #tpu.memory_space<vmem>> -> memref<200x128xf32, #tpu.memory_space<vmem>>
      %dma_wait3A_165 = arith.constant 0 : i32
      %dma_wait3A_166 = arith.constant 0 : i32
      %dma_wait3A_167 = tpu.memref_slice %arg2[%dma_wait3A_165, %dma_wait3A_166] : memref<100000x128xf32, #tpu.memory_space<hbm>> -> memref<200x128xf32, #tpu.memory_space<hbm>>
      %dma_wait3A_168 = arith.constant 0 : i32
      %dma_wait3A_169 = arith.constant 0 : i32
      %dma_wait3A_170 = tpu.memref_slice %arg6[%dma_wait3A_160, %dma_wait3A_168, %dma_wait3A_169] : memref<2x200x128xf32, #tpu.memory_space<vmem>> -> memref<1x200x128xf32, #tpu.memory_space<vmem>>
      %dma_wait3A_171 = tpu.memref_squeeze %dma_wait3A_170 : memref<1x200x128xf32, #tpu.memory_space<vmem>> -> memref<200x128xf32, #tpu.memory_space<vmem>>
      %dma_wait3A_172 = arith.constant 0 : i32
      %dma_wait3A_173 = arith.constant 0 : i32
      %dma_wait3A_174 = tpu.memref_slice %arg2[%dma_wait3A_172, %dma_wait3A_173] : memref<100000x128xf32, #tpu.memory_space<hbm>> -> memref<200x128xf32, #tpu.memory_space<hbm>>
      tpu.wait_dma2 semaphore(%arg9 : memref<!tpu.dma_semaphore, #tpu.memory_space<semaphore_mem>>) src(%dma_wait3A_174 : memref<200x128xf32, #tpu.memory_space<hbm>>) dst(%dma_wait3A_171 : memref<200x128xf32, #tpu.memory_space<vmem>>)
      %gt3A_175 = arith.constant 0 : i32
      %gt3A_176 = arith.cmpi sgt, %add3A_159, %gt3A_175 : i32
      %convert_element_type3A_177 = arith.extui %gt3A_176 : i1 to i32
      %cond3A_178 = arith.constant 0 : i32
      %cond3A_179 = arith.cmpi ne, %convert_element_type3A_177, %cond3A_178 : i32
      scf.if %cond3A_179 {
        %dma_wait3A_254 = arith.constant 0 : i32
        %dma_wait3A_255 = arith.constant 0 : i32
        %dma_wait3A_256 = arith.constant 0 : i32
        %dma_wait3A_257 = arith.constant 0 : i32
        %dma_wait3A_258 = tpu.memref_slice %arg7[%dma_wait3A_254, %dma_wait3A_255, %dma_wait3A_256, %dma_wait3A_257] : memref<2x2x50x64xf32, #tpu.memory_space<vmem>> -> memref<1x2x50x64xf32, #tpu.memory_space<vmem>>
        %dma_wait3A_259 = tpu.memref_squeeze %dma_wait3A_258 : memref<1x2x50x64xf32, #tpu.memory_space<vmem>> -> memref<2x50x64xf32, #tpu.memory_space<vmem>>
        %dma_wait3A_260 = arith.constant 0 : i32
        %dma_wait3A_261 = arith.constant 0 : i32
        %dma_wait3A_262 = tpu.memref_slice %arg4[%mul3A_2, %dma_wait3A_260, %dma_wait3A_261] : memref<16384x50x64xf32, #tpu.memory_space<hbm>> -> memref<2x50x64xf32, #tpu.memory_space<hbm>>
        %dma_wait3A_263 = arith.constant 0 : i32
        %dma_wait3A_264 = arith.constant 0 : i32
        %dma_wait3A_265 = tpu.memref_slice %arg4[%mul3A_2, %dma_wait3A_263, %dma_wait3A_264] : memref<16384x50x64xf32, #tpu.memory_space<hbm>> -> memref<2x50x64xf32, #tpu.memory_space<hbm>>
        %dma_wait3A_266 = arith.constant 0 : i32
        %dma_wait3A_267 = arith.constant 0 : i32
        %dma_wait3A_268 = arith.constant 0 : i32
        %dma_wait3A_269 = tpu.memref_slice %arg7[%dma_wait3A_254, %dma_wait3A_266, %dma_wait3A_267, %dma_wait3A_268] : memref<2x2x50x64xf32, #tpu.memory_space<vmem>> -> memref<1x2x50x64xf32, #tpu.memory_space<vmem>>
        %dma_wait3A_270 = tpu.memref_squeeze %dma_wait3A_269 : memref<1x2x50x64xf32, #tpu.memory_space<vmem>> -> memref<2x50x64xf32, #tpu.memory_space<vmem>>
        tpu.wait_dma2 semaphore(%arg10 : memref<!tpu.dma_semaphore, #tpu.memory_space<semaphore_mem>>) src(%dma_wait3A_270 : memref<2x50x64xf32, #tpu.memory_space<vmem>>) dst(%dma_wait3A_265 : memref<2x50x64xf32, #tpu.memory_space<hbm>>)
      } else {
      }
      %scan3A_180 = arith.constant 0 : i32
      %scan3A_181 = arith.constant 50 : i32
      %scan3A_182 = arith.addi %scan3A_180, %scan3A_181 : i32
      %scan3A_183 = arith.constant 2 : i32
      scf.for %scan3A_254 = %scan3A_180 to %scan3A_182 step %scan3A_183  : i32 {
        %mul3A_255 = arith.constant 1 : i32
        %mul3A_256 = arith.muli %scan3A_254, %mul3A_255 : i32
        %add3A_257 = arith.constant 0 : i32
        %add3A_258 = arith.addi %add3A_257, %mul3A_256 : i32
        %add3A_259 = arith.constant 0 : i32
        %add3A_260 = arith.addi %add3A_259, %add3A_258 : i32
        %get3A = arith.constant 1 : i32
        %get3A_261 = arith.index_cast %get3A : i32 to index
        %get3A_262 = arith.index_cast %add3A_260 : i32 to index
        %get3A_263 = arith.constant 0 : index
        %get3A_264 = tpu.vector_load %arg6[%get3A_261, %get3A_262, %get3A_263] {strides = array<i32>} : memref<2x200x128xf32, #tpu.memory_space<vmem>>, vector<1x1x16xf32>,
        %get3A_265 = vector.shape_cast %get3A_264 : vector<1x1x16xf32> to vector<16xf32>
        %swap3A = arith.constant 0 : i32
        %swap3A_266 = arith.constant 0 : i32
        %swap3A_267 = arith.index_cast %swap3A : i32 to index
        %swap3A_268 = arith.index_cast %swap3A_266 : i32 to index
        %swap3A_269 = arith.index_cast %add3A_258 : i32 to index
        %swap3A_270 = arith.constant 0 : index
        %swap3A_271 = tpu.vector_load %arg7[%swap3A_267, %swap3A_268, %swap3A_269, %swap3A_270] {strides = array<i32>} : memref<2x2x50x64xf32, #tpu.memory_space<vmem>>, vector<1x1x1x16xf32>,
        %swap3A_272 = vector.shape_cast %swap3A_271 : vector<1x1x1x16xf32> to vector<16xf32>
        %swap3A_273 = vector.shape_cast %get3A_265 : vector<16xf32> to vector<1x1x1x16xf32>
        tpu.vector_store %arg7[%swap3A_267, %swap3A_268, %swap3A_269, %swap3A_270], %swap3A_273 {strides = array<i32>} : memref<2x2x50x64xf32, #tpu.memory_space<vmem>>, vector<1x1x1x16xf32>,
        %add3A_274 = arith.constant 0 : i32
        %add3A_275 = arith.addi %add3A_274, %add3A_258 : i32
        %get3A_276 = arith.constant 1 : i32
        %get3A_277 = arith.index_cast %get3A_276 : i32 to index
        %get3A_278 = arith.index_cast %add3A_275 : i32 to index
        %get3A_279 = arith.constant 16 : index
        %get3A_280 = tpu.vector_load %arg6[%get3A_277, %get3A_278, %get3A_279] {strides = array<i32>} : memref<2x200x128xf32, #tpu.memory_space<vmem>>, vector<1x1x16xf32>,
        %get3A_281 = vector.shape_cast %get3A_280 : vector<1x1x16xf32> to vector<16xf32>
        %swap3A_282 = arith.constant 0 : i32
        %swap3A_283 = arith.constant 0 : i32
        %swap3A_284 = arith.index_cast %swap3A_282 : i32 to index
        %swap3A_285 = arith.index_cast %swap3A_283 : i32 to index
        %swap3A_286 = arith.index_cast %add3A_258 : i32 to index
        %swap3A_287 = arith.constant 16 : index
        %swap3A_288 = tpu.vector_load %arg7[%swap3A_284, %swap3A_285, %swap3A_286, %swap3A_287] {strides = array<i32>} : memref<2x2x50x64xf32, #tpu.memory_space<vmem>>, vector<1x1x1x16xf32>,
        %swap3A_289 = vector.shape_cast %swap3A_288 : vector<1x1x1x16xf32> to vector<16xf32>
        %swap3A_290 = vector.shape_cast %get3A_281 : vector<16xf32> to vector<1x1x1x16xf32>
        tpu.vector_store %arg7[%swap3A_284, %swap3A_285, %swap3A_286, %swap3A_287], %swap3A_290 {strides = array<i32>} : memref<2x2x50x64xf32, #tpu.memory_space<vmem>>, vector<1x1x1x16xf32>,
        %add3A_291 = arith.constant 0 : i32
        %add3A_292 = arith.addi %add3A_291, %add3A_258 : i32
        %get3A_293 = arith.constant 1 : i32
        %get3A_294 = arith.index_cast %get3A_293 : i32 to index
        %get3A_295 = arith.index_cast %add3A_292 : i32 to index
        %get3A_296 = arith.constant 32 : index
        %get3A_297 = tpu.vector_load %arg6[%get3A_294, %get3A_295, %get3A_296] {strides = array<i32>} : memref<2x200x128xf32, #tpu.memory_space<vmem>>, vector<1x1x16xf32>,
        %get3A_298 = vector.shape_cast %get3A_297 : vector<1x1x16xf32> to vector<16xf32>
        %swap3A_299 = arith.constant 0 : i32
        %swap3A_300 = arith.constant 0 : i32
        %swap3A_301 = arith.index_cast %swap3A_299 : i32 to index
        %swap3A_302 = arith.index_cast %swap3A_300 : i32 to index
        %swap3A_303 = arith.index_cast %add3A_258 : i32 to index
        %swap3A_304 = arith.constant 32 : index
        %swap3A_305 = tpu.vector_load %arg7[%swap3A_301, %swap3A_302, %swap3A_303, %swap3A_304] {strides = array<i32>} : memref<2x2x50x64xf32, #tpu.memory_space<vmem>>, vector<1x1x1x16xf32>,
        %swap3A_306 = vector.shape_cast %swap3A_305 : vector<1x1x1x16xf32> to vector<16xf32>
        %swap3A_307 = vector.shape_cast %get3A_298 : vector<16xf32> to vector<1x1x1x16xf32>
        tpu.vector_store %arg7[%swap3A_301, %swap3A_302, %swap3A_303, %swap3A_304], %swap3A_307 {strides = array<i32>} : memref<2x2x50x64xf32, #tpu.memory_space<vmem>>, vector<1x1x1x16xf32>,
        %add3A_308 = arith.constant 0 : i32
        %add3A_309 = arith.addi %add3A_308, %add3A_258 : i32
        %get3A_310 = arith.constant 1 : i32
        %get3A_311 = arith.index_cast %get3A_310 : i32 to index
        %get3A_312 = arith.index_cast %add3A_309 : i32 to index
        %get3A_313 = arith.constant 48 : index
        %get3A_314 = tpu.vector_load %arg6[%get3A_311, %get3A_312, %get3A_313] {strides = array<i32>} : memref<2x200x128xf32, #tpu.memory_space<vmem>>, vector<1x1x16xf32>,
        %get3A_315 = vector.shape_cast %get3A_314 : vector<1x1x16xf32> to vector<16xf32>
        %swap3A_316 = arith.constant 0 : i32
        %swap3A_317 = arith.constant 0 : i32
        %swap3A_318 = arith.index_cast %swap3A_316 : i32 to index
        %swap3A_319 = arith.index_cast %swap3A_317 : i32 to index
        %swap3A_320 = arith.index_cast %add3A_258 : i32 to index
        %swap3A_321 = arith.constant 48 : index
        %swap3A_322 = tpu.vector_load %arg7[%swap3A_318, %swap3A_319, %swap3A_320, %swap3A_321] {strides = array<i32>} : memref<2x2x50x64xf32, #tpu.memory_space<vmem>>, vector<1x1x1x16xf32>,
        %swap3A_323 = vector.shape_cast %swap3A_322 : vector<1x1x1x16xf32> to vector<16xf32>
        %swap3A_324 = vector.shape_cast %get3A_315 : vector<16xf32> to vector<1x1x1x16xf32>
        tpu.vector_store %arg7[%swap3A_318, %swap3A_319, %swap3A_320, %swap3A_321], %swap3A_324 {strides = array<i32>} : memref<2x2x50x64xf32, #tpu.memory_space<vmem>>, vector<1x1x1x16xf32>,
        %scan3A_325 = arith.constant 1 : i32
        %scan3A_326 = arith.addi %scan3A_254, %scan3A_325 : i32
        %mul3A_327 = arith.constant 1 : i32
        %mul3A_328 = arith.muli %scan3A_326, %mul3A_327 : i32
        %add3A_329 = arith.constant 0 : i32
        %add3A_330 = arith.addi %add3A_329, %mul3A_328 : i32
        %add3A_331 = arith.constant 0 : i32
        %add3A_332 = arith.addi %add3A_331, %add3A_330 : i32
        %get3A_333 = arith.constant 1 : i32
        %get3A_334 = arith.index_cast %get3A_333 : i32 to index
        %get3A_335 = arith.index_cast %add3A_332 : i32 to index
        %get3A_336 = arith.constant 0 : index
        %get3A_337 = tpu.vector_load %arg6[%get3A_334, %get3A_335, %get3A_336] {strides = array<i32>} : memref<2x200x128xf32, #tpu.memory_space<vmem>>, vector<1x1x16xf32>,
        %get3A_338 = vector.shape_cast %get3A_337 : vector<1x1x16xf32> to vector<16xf32>
        %swap3A_339 = arith.constant 0 : i32
        %swap3A_340 = arith.constant 0 : i32
        %swap3A_341 = arith.index_cast %swap3A_339 : i32 to index
        %swap3A_342 = arith.index_cast %swap3A_340 : i32 to index
        %swap3A_343 = arith.index_cast %add3A_330 : i32 to index
        %swap3A_344 = arith.constant 0 : index
        %swap3A_345 = tpu.vector_load %arg7[%swap3A_341, %swap3A_342, %swap3A_343, %swap3A_344] {strides = array<i32>} : memref<2x2x50x64xf32, #tpu.memory_space<vmem>>, vector<1x1x1x16xf32>,
        %swap3A_346 = vector.shape_cast %swap3A_345 : vector<1x1x1x16xf32> to vector<16xf32>
        %swap3A_347 = vector.shape_cast %get3A_338 : vector<16xf32> to vector<1x1x1x16xf32>
        tpu.vector_store %arg7[%swap3A_341, %swap3A_342, %swap3A_343, %swap3A_344], %swap3A_347 {strides = array<i32>} : memref<2x2x50x64xf32, #tpu.memory_space<vmem>>, vector<1x1x1x16xf32>,
        %add3A_348 = arith.constant 0 : i32
        %add3A_349 = arith.addi %add3A_348, %add3A_330 : i32
        %get3A_350 = arith.constant 1 : i32
        %get3A_351 = arith.index_cast %get3A_350 : i32 to index
        %get3A_352 = arith.index_cast %add3A_349 : i32 to index
        %get3A_353 = arith.constant 16 : index
        %get3A_354 = tpu.vector_load %arg6[%get3A_351, %get3A_352, %get3A_353] {strides = array<i32>} : memref<2x200x128xf32, #tpu.memory_space<vmem>>, vector<1x1x16xf32>,
        %get3A_355 = vector.shape_cast %get3A_354 : vector<1x1x16xf32> to vector<16xf32>
        %swap3A_356 = arith.constant 0 : i32
        %swap3A_357 = arith.constant 0 : i32
        %swap3A_358 = arith.index_cast %swap3A_356 : i32 to index
        %swap3A_359 = arith.index_cast %swap3A_357 : i32 to index
        %swap3A_360 = arith.index_cast %add3A_330 : i32 to index
        %swap3A_361 = arith.constant 16 : index
        %swap3A_362 = tpu.vector_load %arg7[%swap3A_358, %swap3A_359, %swap3A_360, %swap3A_361] {strides = array<i32>} : memref<2x2x50x64xf32, #tpu.memory_space<vmem>>, vector<1x1x1x16xf32>,
        %swap3A_363 = vector.shape_cast %swap3A_362 : vector<1x1x1x16xf32> to vector<16xf32>
        %swap3A_364 = vector.shape_cast %get3A_355 : vector<16xf32> to vector<1x1x1x16xf32>
        tpu.vector_store %arg7[%swap3A_358, %swap3A_359, %swap3A_360, %swap3A_361], %swap3A_364 {strides = array<i32>} : memref<2x2x50x64xf32, #tpu.memory_space<vmem>>, vector<1x1x1x16xf32>,
        %add3A_365 = arith.constant 0 : i32
        %add3A_366 = arith.addi %add3A_365, %add3A_330 : i32
        %get3A_367 = arith.constant 1 : i32
        %get3A_368 = arith.index_cast %get3A_367 : i32 to index
        %get3A_369 = arith.index_cast %add3A_366 : i32 to index
        %get3A_370 = arith.constant 32 : index
        %get3A_371 = tpu.vector_load %arg6[%get3A_368, %get3A_369, %get3A_370] {strides = array<i32>} : memref<2x200x128xf32, #tpu.memory_space<vmem>>, vector<1x1x16xf32>,
        %get3A_372 = vector.shape_cast %get3A_371 : vector<1x1x16xf32> to vector<16xf32>
        %swap3A_373 = arith.constant 0 : i32
        %swap3A_374 = arith.constant 0 : i32
        %swap3A_375 = arith.index_cast %swap3A_373 : i32 to index
        %swap3A_376 = arith.index_cast %swap3A_374 : i32 to index
        %swap3A_377 = arith.index_cast %add3A_330 : i32 to index
        %swap3A_378 = arith.constant 32 : index
        %swap3A_379 = tpu.vector_load %arg7[%swap3A_375, %swap3A_376, %swap3A_377, %swap3A_378] {strides = array<i32>} : memref<2x2x50x64xf32, #tpu.memory_space<vmem>>, vector<1x1x1x16xf32>,
        %swap3A_380 = vector.shape_cast %swap3A_379 : vector<1x1x1x16xf32> to vector<16xf32>
        %swap3A_381 = vector.shape_cast %get3A_372 : vector<16xf32> to vector<1x1x1x16xf32>
        tpu.vector_store %arg7[%swap3A_375, %swap3A_376, %swap3A_377, %swap3A_378], %swap3A_381 {strides = array<i32>} : memref<2x2x50x64xf32, #tpu.memory_space<vmem>>, vector<1x1x1x16xf32>,
        %add3A_382 = arith.constant 0 : i32
        %add3A_383 = arith.addi %add3A_382, %add3A_330 : i32
        %get3A_384 = arith.constant 1 : i32
        %get3A_385 = arith.index_cast %get3A_384 : i32 to index
        %get3A_386 = arith.index_cast %add3A_383 : i32 to index
        %get3A_387 = arith.constant 48 : index
        %get3A_388 = tpu.vector_load %arg6[%get3A_385, %get3A_386, %get3A_387] {strides = array<i32>} : memref<2x200x128xf32, #tpu.memory_space<vmem>>, vector<1x1x16xf32>,
        %get3A_389 = vector.shape_cast %get3A_388 : vector<1x1x16xf32> to vector<16xf32>
        %swap3A_390 = arith.constant 0 : i32
        %swap3A_391 = arith.constant 0 : i32
        %swap3A_392 = arith.index_cast %swap3A_390 : i32 to index
        %swap3A_393 = arith.index_cast %swap3A_391 : i32 to index
        %swap3A_394 = arith.index_cast %add3A_330 : i32 to index
        %swap3A_395 = arith.constant 48 : index
        %swap3A_396 = tpu.vector_load %arg7[%swap3A_392, %swap3A_393, %swap3A_394, %swap3A_395] {strides = array<i32>} : memref<2x2x50x64xf32, #tpu.memory_space<vmem>>, vector<1x1x1x16xf32>,
        %swap3A_397 = vector.shape_cast %swap3A_396 : vector<1x1x1x16xf32> to vector<16xf32>
        %swap3A_398 = vector.shape_cast %get3A_389 : vector<16xf32> to vector<1x1x1x16xf32>
        tpu.vector_store %arg7[%swap3A_392, %swap3A_393, %swap3A_394, %swap3A_395], %swap3A_398 {strides = array<i32>} : memref<2x2x50x64xf32, #tpu.memory_space<vmem>>, vector<1x1x1x16xf32>,
      }
      %scan3A_184 = arith.constant 50 : i32
      %scan3A_185 = arith.constant 0 : i32
      %scan3A_186 = arith.constant 50 : i32
      %scan3A_187 = arith.addi %scan3A_185, %scan3A_186 : i32
      %scan3A_188 = arith.constant 2 : i32
      scf.for %scan3A_254 = %scan3A_185 to %scan3A_187 step %scan3A_188  : i32 {
        %mul3A_255 = arith.constant 1 : i32
        %mul3A_256 = arith.muli %scan3A_254, %mul3A_255 : i32
        %add3A_257 = arith.constant 0 : i32
        %add3A_258 = arith.addi %add3A_257, %mul3A_256 : i32
        %add3A_259 = arith.constant 50 : i32
        %add3A_260 = arith.addi %add3A_259, %add3A_258 : i32
        %get3A = arith.constant 1 : i32
        %get3A_261 = arith.index_cast %get3A : i32 to index
        %get3A_262 = arith.index_cast %add3A_260 : i32 to index
        %get3A_263 = arith.constant 0 : index
        %get3A_264 = tpu.vector_load %arg6[%get3A_261, %get3A_262, %get3A_263] {strides = array<i32>} : memref<2x200x128xf32, #tpu.memory_space<vmem>>, vector<1x1x16xf32>,
        %get3A_265 = vector.shape_cast %get3A_264 : vector<1x1x16xf32> to vector<16xf32>
        %swap3A = arith.constant 0 : i32
        %swap3A_266 = arith.constant 1 : i32
        %swap3A_267 = arith.index_cast %swap3A : i32 to index
        %swap3A_268 = arith.index_cast %swap3A_266 : i32 to index
        %swap3A_269 = arith.index_cast %add3A_258 : i32 to index
        %swap3A_270 = arith.constant 0 : index
        %swap3A_271 = tpu.vector_load %arg7[%swap3A_267, %swap3A_268, %swap3A_269, %swap3A_270] {strides = array<i32>} : memref<2x2x50x64xf32, #tpu.memory_space<vmem>>, vector<1x1x1x16xf32>,
        %swap3A_272 = vector.shape_cast %swap3A_271 : vector<1x1x1x16xf32> to vector<16xf32>
        %swap3A_273 = vector.shape_cast %get3A_265 : vector<16xf32> to vector<1x1x1x16xf32>
        tpu.vector_store %arg7[%swap3A_267, %swap3A_268, %swap3A_269, %swap3A_270], %swap3A_273 {strides = array<i32>} : memref<2x2x50x64xf32, #tpu.memory_space<vmem>>, vector<1x1x1x16xf32>,
        %add3A_274 = arith.constant 50 : i32
        %add3A_275 = arith.addi %add3A_274, %add3A_258 : i32
        %get3A_276 = arith.constant 1 : i32
        %get3A_277 = arith.index_cast %get3A_276 : i32 to index
        %get3A_278 = arith.index_cast %add3A_275 : i32 to index
        %get3A_279 = arith.constant 16 : index
        %get3A_280 = tpu.vector_load %arg6[%get3A_277, %get3A_278, %get3A_279] {strides = array<i32>} : memref<2x200x128xf32, #tpu.memory_space<vmem>>, vector<1x1x16xf32>,
        %get3A_281 = vector.shape_cast %get3A_280 : vector<1x1x16xf32> to vector<16xf32>
        %swap3A_282 = arith.constant 0 : i32
        %swap3A_283 = arith.constant 1 : i32
        %swap3A_284 = arith.index_cast %swap3A_282 : i32 to index
        %swap3A_285 = arith.index_cast %swap3A_283 : i32 to index
        %swap3A_286 = arith.index_cast %add3A_258 : i32 to index
        %swap3A_287 = arith.constant 16 : index
        %swap3A_288 = tpu.vector_load %arg7[%swap3A_284, %swap3A_285, %swap3A_286, %swap3A_287] {strides = array<i32>} : memref<2x2x50x64xf32, #tpu.memory_space<vmem>>, vector<1x1x1x16xf32>,
        %swap3A_289 = vector.shape_cast %swap3A_288 : vector<1x1x1x16xf32> to vector<16xf32>
        %swap3A_290 = vector.shape_cast %get3A_281 : vector<16xf32> to vector<1x1x1x16xf32>
        tpu.vector_store %arg7[%swap3A_284, %swap3A_285, %swap3A_286, %swap3A_287], %swap3A_290 {strides = array<i32>} : memref<2x2x50x64xf32, #tpu.memory_space<vmem>>, vector<1x1x1x16xf32>,
        %add3A_291 = arith.constant 50 : i32
        %add3A_292 = arith.addi %add3A_291, %add3A_258 : i32
        %get3A_293 = arith.constant 1 : i32
        %get3A_294 = arith.index_cast %get3A_293 : i32 to index
        %get3A_295 = arith.index_cast %add3A_292 : i32 to index
        %get3A_296 = arith.constant 32 : index
        %get3A_297 = tpu.vector_load %arg6[%get3A_294, %get3A_295, %get3A_296] {strides = array<i32>} : memref<2x200x128xf32, #tpu.memory_space<vmem>>, vector<1x1x16xf32>,
        %get3A_298 = vector.shape_cast %get3A_297 : vector<1x1x16xf32> to vector<16xf32>
        %swap3A_299 = arith.constant 0 : i32
        %swap3A_300 = arith.constant 1 : i32
        %swap3A_301 = arith.index_cast %swap3A_299 : i32 to index
        %swap3A_302 = arith.index_cast %swap3A_300 : i32 to index
        %swap3A_303 = arith.index_cast %add3A_258 : i32 to index
        %swap3A_304 = arith.constant 32 : index
        %swap3A_305 = tpu.vector_load %arg7[%swap3A_301, %swap3A_302, %swap3A_303, %swap3A_304] {strides = array<i32>} : memref<2x2x50x64xf32, #tpu.memory_space<vmem>>, vector<1x1x1x16xf32>,
        %swap3A_306 = vector.shape_cast %swap3A_305 : vector<1x1x1x16xf32> to vector<16xf32>
        %swap3A_307 = vector.shape_cast %get3A_298 : vector<16xf32> to vector<1x1x1x16xf32>
        tpu.vector_store %arg7[%swap3A_301, %swap3A_302, %swap3A_303, %swap3A_304], %swap3A_307 {strides = array<i32>} : memref<2x2x50x64xf32, #tpu.memory_space<vmem>>, vector<1x1x1x16xf32>,
        %add3A_308 = arith.constant 50 : i32
        %add3A_309 = arith.addi %add3A_308, %add3A_258 : i32
        %get3A_310 = arith.constant 1 : i32
        %get3A_311 = arith.index_cast %get3A_310 : i32 to index
        %get3A_312 = arith.index_cast %add3A_309 : i32 to index
        %get3A_313 = arith.constant 48 : index
        %get3A_314 = tpu.vector_load %arg6[%get3A_311, %get3A_312, %get3A_313] {strides = array<i32>} : memref<2x200x128xf32, #tpu.memory_space<vmem>>, vector<1x1x16xf32>,
        %get3A_315 = vector.shape_cast %get3A_314 : vector<1x1x16xf32> to vector<16xf32>
        %swap3A_316 = arith.constant 0 : i32
        %swap3A_317 = arith.constant 1 : i32
        %swap3A_318 = arith.index_cast %swap3A_316 : i32 to index
        %swap3A_319 = arith.index_cast %swap3A_317 : i32 to index
        %swap3A_320 = arith.index_cast %add3A_258 : i32 to index
        %swap3A_321 = arith.constant 48 : index
        %swap3A_322 = tpu.vector_load %arg7[%swap3A_318, %swap3A_319, %swap3A_320, %swap3A_321] {strides = array<i32>} : memref<2x2x50x64xf32, #tpu.memory_space<vmem>>, vector<1x1x1x16xf32>,
        %swap3A_323 = vector.shape_cast %swap3A_322 : vector<1x1x1x16xf32> to vector<16xf32>
        %swap3A_324 = vector.shape_cast %get3A_315 : vector<16xf32> to vector<1x1x1x16xf32>
        tpu.vector_store %arg7[%swap3A_318, %swap3A_319, %swap3A_320, %swap3A_321], %swap3A_324 {strides = array<i32>} : memref<2x2x50x64xf32, #tpu.memory_space<vmem>>, vector<1x1x1x16xf32>,
        %scan3A_325 = arith.constant 1 : i32
        %scan3A_326 = arith.addi %scan3A_254, %scan3A_325 : i32
        %mul3A_327 = arith.constant 1 : i32
        %mul3A_328 = arith.muli %scan3A_326, %mul3A_327 : i32
        %add3A_329 = arith.constant 0 : i32
        %add3A_330 = arith.addi %add3A_329, %mul3A_328 : i32
        %add3A_331 = arith.constant 50 : i32
        %add3A_332 = arith.addi %add3A_331, %add3A_330 : i32
        %get3A_333 = arith.constant 1 : i32
        %get3A_334 = arith.index_cast %get3A_333 : i32 to index
        %get3A_335 = arith.index_cast %add3A_332 : i32 to index
        %get3A_336 = arith.constant 0 : index
        %get3A_337 = tpu.vector_load %arg6[%get3A_334, %get3A_335, %get3A_336] {strides = array<i32>} : memref<2x200x128xf32, #tpu.memory_space<vmem>>, vector<1x1x16xf32>,
        %get3A_338 = vector.shape_cast %get3A_337 : vector<1x1x16xf32> to vector<16xf32>
        %swap3A_339 = arith.constant 0 : i32
        %swap3A_340 = arith.constant 1 : i32
        %swap3A_341 = arith.index_cast %swap3A_339 : i32 to index
        %swap3A_342 = arith.index_cast %swap3A_340 : i32 to index
        %swap3A_343 = arith.index_cast %add3A_330 : i32 to index
        %swap3A_344 = arith.constant 0 : index
        %swap3A_345 = tpu.vector_load %arg7[%swap3A_341, %swap3A_342, %swap3A_343, %swap3A_344] {strides = array<i32>} : memref<2x2x50x64xf32, #tpu.memory_space<vmem>>, vector<1x1x1x16xf32>,
        %swap3A_346 = vector.shape_cast %swap3A_345 : vector<1x1x1x16xf32> to vector<16xf32>
        %swap3A_347 = vector.shape_cast %get3A_338 : vector<16xf32> to vector<1x1x1x16xf32>
        tpu.vector_store %arg7[%swap3A_341, %swap3A_342, %swap3A_343, %swap3A_344], %swap3A_347 {strides = array<i32>} : memref<2x2x50x64xf32, #tpu.memory_space<vmem>>, vector<1x1x1x16xf32>,
        %add3A_348 = arith.constant 50 : i32
        %add3A_349 = arith.addi %add3A_348, %add3A_330 : i32
        %get3A_350 = arith.constant 1 : i32
        %get3A_351 = arith.index_cast %get3A_350 : i32 to index
        %get3A_352 = arith.index_cast %add3A_349 : i32 to index
        %get3A_353 = arith.constant 16 : index
        %get3A_354 = tpu.vector_load %arg6[%get3A_351, %get3A_352, %get3A_353] {strides = array<i32>} : memref<2x200x128xf32, #tpu.memory_space<vmem>>, vector<1x1x16xf32>,
        %get3A_355 = vector.shape_cast %get3A_354 : vector<1x1x16xf32> to vector<16xf32>
        %swap3A_356 = arith.constant 0 : i32
        %swap3A_357 = arith.constant 1 : i32
        %swap3A_358 = arith.index_cast %swap3A_356 : i32 to index
        %swap3A_359 = arith.index_cast %swap3A_357 : i32 to index
        %swap3A_360 = arith.index_cast %add3A_330 : i32 to index
        %swap3A_361 = arith.constant 16 : index
        %swap3A_362 = tpu.vector_load %arg7[%swap3A_358, %swap3A_359, %swap3A_360, %swap3A_361] {strides = array<i32>} : memref<2x2x50x64xf32, #tpu.memory_space<vmem>>, vector<1x1x1x16xf32>,
        %swap3A_363 = vector.shape_cast %swap3A_362 : vector<1x1x1x16xf32> to vector<16xf32>
        %swap3A_364 = vector.shape_cast %get3A_355 : vector<16xf32> to vector<1x1x1x16xf32>
        tpu.vector_store %arg7[%swap3A_358, %swap3A_359, %swap3A_360, %swap3A_361], %swap3A_364 {strides = array<i32>} : memref<2x2x50x64xf32, #tpu.memory_space<vmem>>, vector<1x1x1x16xf32>,
        %add3A_365 = arith.constant 50 : i32
        %add3A_366 = arith.addi %add3A_365, %add3A_330 : i32
        %get3A_367 = arith.constant 1 : i32
        %get3A_368 = arith.index_cast %get3A_367 : i32 to index
        %get3A_369 = arith.index_cast %add3A_366 : i32 to index
        %get3A_370 = arith.constant 32 : index
        %get3A_371 = tpu.vector_load %arg6[%get3A_368, %get3A_369, %get3A_370] {strides = array<i32>} : memref<2x200x128xf32, #tpu.memory_space<vmem>>, vector<1x1x16xf32>,
        %get3A_372 = vector.shape_cast %get3A_371 : vector<1x1x16xf32> to vector<16xf32>
        %swap3A_373 = arith.constant 0 : i32
        %swap3A_374 = arith.constant 1 : i32
        %swap3A_375 = arith.index_cast %swap3A_373 : i32 to index
        %swap3A_376 = arith.index_cast %swap3A_374 : i32 to index
        %swap3A_377 = arith.index_cast %add3A_330 : i32 to index
        %swap3A_378 = arith.constant 32 : index
        %swap3A_379 = tpu.vector_load %arg7[%swap3A_375, %swap3A_376, %swap3A_377, %swap3A_378] {strides = array<i32>} : memref<2x2x50x64xf32, #tpu.memory_space<vmem>>, vector<1x1x1x16xf32>,
        %swap3A_380 = vector.shape_cast %swap3A_379 : vector<1x1x1x16xf32> to vector<16xf32>
        %swap3A_381 = vector.shape_cast %get3A_372 : vector<16xf32> to vector<1x1x1x16xf32>
        tpu.vector_store %arg7[%swap3A_375, %swap3A_376, %swap3A_377, %swap3A_378], %swap3A_381 {strides = array<i32>} : memref<2x2x50x64xf32, #tpu.memory_space<vmem>>, vector<1x1x1x16xf32>,
        %add3A_382 = arith.constant 50 : i32
        %add3A_383 = arith.addi %add3A_382, %add3A_330 : i32
        %get3A_384 = arith.constant 1 : i32
        %get3A_385 = arith.index_cast %get3A_384 : i32 to index
        %get3A_386 = arith.index_cast %add3A_383 : i32 to index
        %get3A_387 = arith.constant 48 : index
        %get3A_388 = tpu.vector_load %arg6[%get3A_385, %get3A_386, %get3A_387] {strides = array<i32>} : memref<2x200x128xf32, #tpu.memory_space<vmem>>, vector<1x1x16xf32>,
        %get3A_389 = vector.shape_cast %get3A_388 : vector<1x1x16xf32> to vector<16xf32>
        %swap3A_390 = arith.constant 0 : i32
        %swap3A_391 = arith.constant 1 : i32
        %swap3A_392 = arith.index_cast %swap3A_390 : i32 to index
        %swap3A_393 = arith.index_cast %swap3A_391 : i32 to index
        %swap3A_394 = arith.index_cast %add3A_330 : i32 to index
        %swap3A_395 = arith.constant 48 : index
        %swap3A_396 = tpu.vector_load %arg7[%swap3A_392, %swap3A_393, %swap3A_394, %swap3A_395] {strides = array<i32>} : memref<2x2x50x64xf32, #tpu.memory_space<vmem>>, vector<1x1x1x16xf32>,
        %swap3A_397 = vector.shape_cast %swap3A_396 : vector<1x1x1x16xf32> to vector<16xf32>
        %swap3A_398 = vector.shape_cast %get3A_389 : vector<16xf32> to vector<1x1x1x16xf32>
        tpu.vector_store %arg7[%swap3A_392, %swap3A_393, %swap3A_394, %swap3A_395], %swap3A_398 {strides = array<i32>} : memref<2x2x50x64xf32, #tpu.memory_space<vmem>>, vector<1x1x1x16xf32>,
      }
      %scan3A_189 = arith.constant 50 : i32
      %mul3A_190 = arith.constant 4 : i32
      %mul3A_191 = arith.muli %add3A_159, %mul3A_190 : i32
      %add3A_192 = arith.addi %mul3A_2, %mul3A_191 : i32
      %add3A_193 = arith.constant 0 : i32
      %add3A_194 = arith.addi %add3A_192, %add3A_193 : i32
      %dma_start3A_195 = arith.constant 0 : i32
      %dma_start3A_196 = arith.constant 0 : i32
      %dma_start3A_197 = arith.constant 0 : i32
      %dma_start3A_198 = arith.constant 0 : i32
      %dma_start3A_199 = tpu.memref_slice %arg7[%dma_start3A_195, %dma_start3A_196, %dma_start3A_197, %dma_start3A_198] : memref<2x2x50x64xf32, #tpu.memory_space<vmem>> -> memref<1x2x50x64xf32, #tpu.memory_space<vmem>>
      %dma_start3A_200 = tpu.memref_squeeze %dma_start3A_199 : memref<1x2x50x64xf32, #tpu.memory_space<vmem>> -> memref<2x50x64xf32, #tpu.memory_space<vmem>>
      %dma_start3A_201 = arith.constant 0 : i32
      %dma_start3A_202 = arith.constant 0 : i32
      %dma_start3A_203 = tpu.memref_slice %arg4[%add3A_194, %dma_start3A_201, %dma_start3A_202] : memref<16384x50x64xf32, #tpu.memory_space<hbm>> -> memref<2x50x64xf32, #tpu.memory_space<hbm>>
      %dma_start3A_204 = arith.constant 0 : i32
      %dma_start3A_205 = arith.constant 0 : i32
      %dma_start3A_206 = tpu.memref_slice %arg4[%add3A_194, %dma_start3A_204, %dma_start3A_205] : memref<16384x50x64xf32, #tpu.memory_space<hbm>> -> memref<2x50x64xf32, #tpu.memory_space<hbm>>
      %dma_start3A_207 = arith.constant 0 : i32
      %dma_start3A_208 = arith.constant 0 : i32
      %dma_start3A_209 = arith.constant 0 : i32
      %dma_start3A_210 = tpu.memref_slice %arg7[%dma_start3A_195, %dma_start3A_207, %dma_start3A_208, %dma_start3A_209] : memref<2x2x50x64xf32, #tpu.memory_space<vmem>> -> memref<1x2x50x64xf32, #tpu.memory_space<vmem>>
      %dma_start3A_211 = tpu.memref_squeeze %dma_start3A_210 : memref<1x2x50x64xf32, #tpu.memory_space<vmem>> -> memref<2x50x64xf32, #tpu.memory_space<vmem>>
      tpu.enqueue_dma source(%dma_start3A_211 : memref<2x50x64xf32, #tpu.memory_space<vmem>>) target(%dma_start3A_206 : memref<2x50x64xf32, #tpu.memory_space<hbm>>) target_semaphore(%arg10 : memref<!tpu.dma_semaphore, #tpu.memory_space<semaphore_mem>>)
      %gt3A_212 = arith.constant 0 : i32
      %gt3A_213 = arith.cmpi sgt, %add3A_159, %gt3A_212 : i32
      %convert_element_type3A_214 = arith.extui %gt3A_213 : i1 to i32
      %cond3A_215 = arith.constant 0 : i32
      %cond3A_216 = arith.cmpi ne, %convert_element_type3A_214, %cond3A_215 : i32
      scf.if %cond3A_216 {
        %dma_wait3A_254 = arith.constant 1 : i32
        %dma_wait3A_255 = arith.constant 0 : i32
        %dma_wait3A_256 = arith.constant 0 : i32
        %dma_wait3A_257 = arith.constant 0 : i32
        %dma_wait3A_258 = tpu.memref_slice %arg7[%dma_wait3A_254, %dma_wait3A_255, %dma_wait3A_256, %dma_wait3A_257] : memref<2x2x50x64xf32, #tpu.memory_space<vmem>> -> memref<1x2x50x64xf32, #tpu.memory_space<vmem>>
        %dma_wait3A_259 = tpu.memref_squeeze %dma_wait3A_258 : memref<1x2x50x64xf32, #tpu.memory_space<vmem>> -> memref<2x50x64xf32, #tpu.memory_space<vmem>>
        %dma_wait3A_260 = arith.constant 0 : i32
        %dma_wait3A_261 = arith.constant 0 : i32
        %dma_wait3A_262 = tpu.memref_slice %arg4[%mul3A_2, %dma_wait3A_260, %dma_wait3A_261] : memref<16384x50x64xf32, #tpu.memory_space<hbm>> -> memref<2x50x64xf32, #tpu.memory_space<hbm>>
        %dma_wait3A_263 = arith.constant 0 : i32
        %dma_wait3A_264 = arith.constant 0 : i32
        %dma_wait3A_265 = tpu.memref_slice %arg4[%mul3A_2, %dma_wait3A_263, %dma_wait3A_264] : memref<16384x50x64xf32, #tpu.memory_space<hbm>> -> memref<2x50x64xf32, #tpu.memory_space<hbm>>
        %dma_wait3A_266 = arith.constant 0 : i32
        %dma_wait3A_267 = arith.constant 0 : i32
        %dma_wait3A_268 = arith.constant 0 : i32
        %dma_wait3A_269 = tpu.memref_slice %arg7[%dma_wait3A_254, %dma_wait3A_266, %dma_wait3A_267, %dma_wait3A_268] : memref<2x2x50x64xf32, #tpu.memory_space<vmem>> -> memref<1x2x50x64xf32, #tpu.memory_space<vmem>>
        %dma_wait3A_270 = tpu.memref_squeeze %dma_wait3A_269 : memref<1x2x50x64xf32, #tpu.memory_space<vmem>> -> memref<2x50x64xf32, #tpu.memory_space<vmem>>
        tpu.wait_dma2 semaphore(%arg11 : memref<!tpu.dma_semaphore, #tpu.memory_space<semaphore_mem>>) src(%dma_wait3A_270 : memref<2x50x64xf32, #tpu.memory_space<vmem>>) dst(%dma_wait3A_265 : memref<2x50x64xf32, #tpu.memory_space<hbm>>)
      } else {
      }
      %scan3A_217 = arith.constant 0 : i32
      %scan3A_218 = arith.constant 50 : i32
      %scan3A_219 = arith.addi %scan3A_217, %scan3A_218 : i32
      %scan3A_220 = arith.constant 2 : i32
      scf.for %scan3A_254 = %scan3A_217 to %scan3A_219 step %scan3A_220  : i32 {
        %mul3A_255 = arith.constant 1 : i32
        %mul3A_256 = arith.muli %scan3A_254, %mul3A_255 : i32
        %add3A_257 = arith.constant 0 : i32
        %add3A_258 = arith.addi %add3A_257, %mul3A_256 : i32
        %add3A_259 = arith.constant 100 : i32
        %add3A_260 = arith.addi %add3A_259, %add3A_258 : i32
        %get3A = arith.constant 1 : i32
        %get3A_261 = arith.index_cast %get3A : i32 to index
        %get3A_262 = arith.index_cast %add3A_260 : i32 to index
        %get3A_263 = arith.constant 0 : index
        %get3A_264 = tpu.vector_load %arg6[%get3A_261, %get3A_262, %get3A_263] {strides = array<i32>} : memref<2x200x128xf32, #tpu.memory_space<vmem>>, vector<1x1x16xf32>,
        %get3A_265 = vector.shape_cast %get3A_264 : vector<1x1x16xf32> to vector<16xf32>
        %swap3A = arith.constant 1 : i32
        %swap3A_266 = arith.constant 0 : i32
        %swap3A_267 = arith.index_cast %swap3A : i32 to index
        %swap3A_268 = arith.index_cast %swap3A_266 : i32 to index
        %swap3A_269 = arith.index_cast %add3A_258 : i32 to index
        %swap3A_270 = arith.constant 0 : index
        %swap3A_271 = tpu.vector_load %arg7[%swap3A_267, %swap3A_268, %swap3A_269, %swap3A_270] {strides = array<i32>} : memref<2x2x50x64xf32, #tpu.memory_space<vmem>>, vector<1x1x1x16xf32>,
        %swap3A_272 = vector.shape_cast %swap3A_271 : vector<1x1x1x16xf32> to vector<16xf32>
        %swap3A_273 = vector.shape_cast %get3A_265 : vector<16xf32> to vector<1x1x1x16xf32>
        tpu.vector_store %arg7[%swap3A_267, %swap3A_268, %swap3A_269, %swap3A_270], %swap3A_273 {strides = array<i32>} : memref<2x2x50x64xf32, #tpu.memory_space<vmem>>, vector<1x1x1x16xf32>,
        %add3A_274 = arith.constant 100 : i32
        %add3A_275 = arith.addi %add3A_274, %add3A_258 : i32
        %get3A_276 = arith.constant 1 : i32
        %get3A_277 = arith.index_cast %get3A_276 : i32 to index
        %get3A_278 = arith.index_cast %add3A_275 : i32 to index
        %get3A_279 = arith.constant 16 : index
        %get3A_280 = tpu.vector_load %arg6[%get3A_277, %get3A_278, %get3A_279] {strides = array<i32>} : memref<2x200x128xf32, #tpu.memory_space<vmem>>, vector<1x1x16xf32>,
        %get3A_281 = vector.shape_cast %get3A_280 : vector<1x1x16xf32> to vector<16xf32>
        %swap3A_282 = arith.constant 1 : i32
        %swap3A_283 = arith.constant 0 : i32
        %swap3A_284 = arith.index_cast %swap3A_282 : i32 to index
        %swap3A_285 = arith.index_cast %swap3A_283 : i32 to index
        %swap3A_286 = arith.index_cast %add3A_258 : i32 to index
        %swap3A_287 = arith.constant 16 : index
        %swap3A_288 = tpu.vector_load %arg7[%swap3A_284, %swap3A_285, %swap3A_286, %swap3A_287] {strides = array<i32>} : memref<2x2x50x64xf32, #tpu.memory_space<vmem>>, vector<1x1x1x16xf32>,
        %swap3A_289 = vector.shape_cast %swap3A_288 : vector<1x1x1x16xf32> to vector<16xf32>
        %swap3A_290 = vector.shape_cast %get3A_281 : vector<16xf32> to vector<1x1x1x16xf32>
        tpu.vector_store %arg7[%swap3A_284, %swap3A_285, %swap3A_286, %swap3A_287], %swap3A_290 {strides = array<i32>} : memref<2x2x50x64xf32, #tpu.memory_space<vmem>>, vector<1x1x1x16xf32>,
        %add3A_291 = arith.constant 100 : i32
        %add3A_292 = arith.addi %add3A_291, %add3A_258 : i32
        %get3A_293 = arith.constant 1 : i32
        %get3A_294 = arith.index_cast %get3A_293 : i32 to index
        %get3A_295 = arith.index_cast %add3A_292 : i32 to index
        %get3A_296 = arith.constant 32 : index
        %get3A_297 = tpu.vector_load %arg6[%get3A_294, %get3A_295, %get3A_296] {strides = array<i32>} : memref<2x200x128xf32, #tpu.memory_space<vmem>>, vector<1x1x16xf32>,
        %get3A_298 = vector.shape_cast %get3A_297 : vector<1x1x16xf32> to vector<16xf32>
        %swap3A_299 = arith.constant 1 : i32
        %swap3A_300 = arith.constant 0 : i32
        %swap3A_301 = arith.index_cast %swap3A_299 : i32 to index
        %swap3A_302 = arith.index_cast %swap3A_300 : i32 to index
        %swap3A_303 = arith.index_cast %add3A_258 : i32 to index
        %swap3A_304 = arith.constant 32 : index
        %swap3A_305 = tpu.vector_load %arg7[%swap3A_301, %swap3A_302, %swap3A_303, %swap3A_304] {strides = array<i32>} : memref<2x2x50x64xf32, #tpu.memory_space<vmem>>, vector<1x1x1x16xf32>,
        %swap3A_306 = vector.shape_cast %swap3A_305 : vector<1x1x1x16xf32> to vector<16xf32>
        %swap3A_307 = vector.shape_cast %get3A_298 : vector<16xf32> to vector<1x1x1x16xf32>
        tpu.vector_store %arg7[%swap3A_301, %swap3A_302, %swap3A_303, %swap3A_304], %swap3A_307 {strides = array<i32>} : memref<2x2x50x64xf32, #tpu.memory_space<vmem>>, vector<1x1x1x16xf32>,
        %add3A_308 = arith.constant 100 : i32
        %add3A_309 = arith.addi %add3A_308, %add3A_258 : i32
        %get3A_310 = arith.constant 1 : i32
        %get3A_311 = arith.index_cast %get3A_310 : i32 to index
        %get3A_312 = arith.index_cast %add3A_309 : i32 to index
        %get3A_313 = arith.constant 48 : index
        %get3A_314 = tpu.vector_load %arg6[%get3A_311, %get3A_312, %get3A_313] {strides = array<i32>} : memref<2x200x128xf32, #tpu.memory_space<vmem>>, vector<1x1x16xf32>,
        %get3A_315 = vector.shape_cast %get3A_314 : vector<1x1x16xf32> to vector<16xf32>
        %swap3A_316 = arith.constant 1 : i32
        %swap3A_317 = arith.constant 0 : i32
        %swap3A_318 = arith.index_cast %swap3A_316 : i32 to index
        %swap3A_319 = arith.index_cast %swap3A_317 : i32 to index
        %swap3A_320 = arith.index_cast %add3A_258 : i32 to index
        %swap3A_321 = arith.constant 48 : index
        %swap3A_322 = tpu.vector_load %arg7[%swap3A_318, %swap3A_319, %swap3A_320, %swap3A_321] {strides = array<i32>} : memref<2x2x50x64xf32, #tpu.memory_space<vmem>>, vector<1x1x1x16xf32>,
        %swap3A_323 = vector.shape_cast %swap3A_322 : vector<1x1x1x16xf32> to vector<16xf32>
        %swap3A_324 = vector.shape_cast %get3A_315 : vector<16xf32> to vector<1x1x1x16xf32>
        tpu.vector_store %arg7[%swap3A_318, %swap3A_319, %swap3A_320, %swap3A_321], %swap3A_324 {strides = array<i32>} : memref<2x2x50x64xf32, #tpu.memory_space<vmem>>, vector<1x1x1x16xf32>,
        %scan3A_325 = arith.constant 1 : i32
        %scan3A_326 = arith.addi %scan3A_254, %scan3A_325 : i32
        %mul3A_327 = arith.constant 1 : i32
        %mul3A_328 = arith.muli %scan3A_326, %mul3A_327 : i32
        %add3A_329 = arith.constant 0 : i32
        %add3A_330 = arith.addi %add3A_329, %mul3A_328 : i32
        %add3A_331 = arith.constant 100 : i32
        %add3A_332 = arith.addi %add3A_331, %add3A_330 : i32
        %get3A_333 = arith.constant 1 : i32
        %get3A_334 = arith.index_cast %get3A_333 : i32 to index
        %get3A_335 = arith.index_cast %add3A_332 : i32 to index
        %get3A_336 = arith.constant 0 : index
        %get3A_337 = tpu.vector_load %arg6[%get3A_334, %get3A_335, %get3A_336] {strides = array<i32>} : memref<2x200x128xf32, #tpu.memory_space<vmem>>, vector<1x1x16xf32>,
        %get3A_338 = vector.shape_cast %get3A_337 : vector<1x1x16xf32> to vector<16xf32>
        %swap3A_339 = arith.constant 1 : i32
        %swap3A_340 = arith.constant 0 : i32
        %swap3A_341 = arith.index_cast %swap3A_339 : i32 to index
        %swap3A_342 = arith.index_cast %swap3A_340 : i32 to index
        %swap3A_343 = arith.index_cast %add3A_330 : i32 to index
        %swap3A_344 = arith.constant 0 : index
        %swap3A_345 = tpu.vector_load %arg7[%swap3A_341, %swap3A_342, %swap3A_343, %swap3A_344] {strides = array<i32>} : memref<2x2x50x64xf32, #tpu.memory_space<vmem>>, vector<1x1x1x16xf32>,
        %swap3A_346 = vector.shape_cast %swap3A_345 : vector<1x1x1x16xf32> to vector<16xf32>
        %swap3A_347 = vector.shape_cast %get3A_338 : vector<16xf32> to vector<1x1x1x16xf32>
        tpu.vector_store %arg7[%swap3A_341, %swap3A_342, %swap3A_343, %swap3A_344], %swap3A_347 {strides = array<i32>} : memref<2x2x50x64xf32, #tpu.memory_space<vmem>>, vector<1x1x1x16xf32>,
        %add3A_348 = arith.constant 100 : i32
        %add3A_349 = arith.addi %add3A_348, %add3A_330 : i32
        %get3A_350 = arith.constant 1 : i32
        %get3A_351 = arith.index_cast %get3A_350 : i32 to index
        %get3A_352 = arith.index_cast %add3A_349 : i32 to index
        %get3A_353 = arith.constant 16 : index
        %get3A_354 = tpu.vector_load %arg6[%get3A_351, %get3A_352, %get3A_353] {strides = array<i32>} : memref<2x200x128xf32, #tpu.memory_space<vmem>>, vector<1x1x16xf32>,
        %get3A_355 = vector.shape_cast %get3A_354 : vector<1x1x16xf32> to vector<16xf32>
        %swap3A_356 = arith.constant 1 : i32
        %swap3A_357 = arith.constant 0 : i32
        %swap3A_358 = arith.index_cast %swap3A_356 : i32 to index
        %swap3A_359 = arith.index_cast %swap3A_357 : i32 to index
        %swap3A_360 = arith.index_cast %add3A_330 : i32 to index
        %swap3A_361 = arith.constant 16 : index
        %swap3A_362 = tpu.vector_load %arg7[%swap3A_358, %swap3A_359, %swap3A_360, %swap3A_361] {strides = array<i32>} : memref<2x2x50x64xf32, #tpu.memory_space<vmem>>, vector<1x1x1x16xf32>,
        %swap3A_363 = vector.shape_cast %swap3A_362 : vector<1x1x1x16xf32> to vector<16xf32>
        %swap3A_364 = vector.shape_cast %get3A_355 : vector<16xf32> to vector<1x1x1x16xf32>
        tpu.vector_store %arg7[%swap3A_358, %swap3A_359, %swap3A_360, %swap3A_361], %swap3A_364 {strides = array<i32>} : memref<2x2x50x64xf32, #tpu.memory_space<vmem>>, vector<1x1x1x16xf32>,
        %add3A_365 = arith.constant 100 : i32
        %add3A_366 = arith.addi %add3A_365, %add3A_330 : i32
        %get3A_367 = arith.constant 1 : i32
        %get3A_368 = arith.index_cast %get3A_367 : i32 to index
        %get3A_369 = arith.index_cast %add3A_366 : i32 to index
        %get3A_370 = arith.constant 32 : index
        %get3A_371 = tpu.vector_load %arg6[%get3A_368, %get3A_369, %get3A_370] {strides = array<i32>} : memref<2x200x128xf32, #tpu.memory_space<vmem>>, vector<1x1x16xf32>,
        %get3A_372 = vector.shape_cast %get3A_371 : vector<1x1x16xf32> to vector<16xf32>
        %swap3A_373 = arith.constant 1 : i32
        %swap3A_374 = arith.constant 0 : i32
        %swap3A_375 = arith.index_cast %swap3A_373 : i32 to index
        %swap3A_376 = arith.index_cast %swap3A_374 : i32 to index
        %swap3A_377 = arith.index_cast %add3A_330 : i32 to index
        %swap3A_378 = arith.constant 32 : index
        %swap3A_379 = tpu.vector_load %arg7[%swap3A_375, %swap3A_376, %swap3A_377, %swap3A_378] {strides = array<i32>} : memref<2x2x50x64xf32, #tpu.memory_space<vmem>>, vector<1x1x1x16xf32>,
        %swap3A_380 = vector.shape_cast %swap3A_379 : vector<1x1x1x16xf32> to vector<16xf32>
        %swap3A_381 = vector.shape_cast %get3A_372 : vector<16xf32> to vector<1x1x1x16xf32>
        tpu.vector_store %arg7[%swap3A_375, %swap3A_376, %swap3A_377, %swap3A_378], %swap3A_381 {strides = array<i32>} : memref<2x2x50x64xf32, #tpu.memory_space<vmem>>, vector<1x1x1x16xf32>,
        %add3A_382 = arith.constant 100 : i32
        %add3A_383 = arith.addi %add3A_382, %add3A_330 : i32
        %get3A_384 = arith.constant 1 : i32
        %get3A_385 = arith.index_cast %get3A_384 : i32 to index
        %get3A_386 = arith.index_cast %add3A_383 : i32 to index
        %get3A_387 = arith.constant 48 : index
        %get3A_388 = tpu.vector_load %arg6[%get3A_385, %get3A_386, %get3A_387] {strides = array<i32>} : memref<2x200x128xf32, #tpu.memory_space<vmem>>, vector<1x1x16xf32>,
        %get3A_389 = vector.shape_cast %get3A_388 : vector<1x1x16xf32> to vector<16xf32>
        %swap3A_390 = arith.constant 1 : i32
        %swap3A_391 = arith.constant 0 : i32
        %swap3A_392 = arith.index_cast %swap3A_390 : i32 to index
        %swap3A_393 = arith.index_cast %swap3A_391 : i32 to index
        %swap3A_394 = arith.index_cast %add3A_330 : i32 to index
        %swap3A_395 = arith.constant 48 : index
        %swap3A_396 = tpu.vector_load %arg7[%swap3A_392, %swap3A_393, %swap3A_394, %swap3A_395] {strides = array<i32>} : memref<2x2x50x64xf32, #tpu.memory_space<vmem>>, vector<1x1x1x16xf32>,
        %swap3A_397 = vector.shape_cast %swap3A_396 : vector<1x1x1x16xf32> to vector<16xf32>
        %swap3A_398 = vector.shape_cast %get3A_389 : vector<16xf32> to vector<1x1x1x16xf32>
        tpu.vector_store %arg7[%swap3A_392, %swap3A_393, %swap3A_394, %swap3A_395], %swap3A_398 {strides = array<i32>} : memref<2x2x50x64xf32, #tpu.memory_space<vmem>>, vector<1x1x1x16xf32>,
      }
      %scan3A_221 = arith.constant 50 : i32
      %scan3A_222 = arith.constant 0 : i32
      %scan3A_223 = arith.constant 50 : i32
      %scan3A_224 = arith.addi %scan3A_222, %scan3A_223 : i32
      %scan3A_225 = arith.constant 2 : i32
      scf.for %scan3A_254 = %scan3A_222 to %scan3A_224 step %scan3A_225  : i32 {
        %mul3A_255 = arith.constant 1 : i32
        %mul3A_256 = arith.muli %scan3A_254, %mul3A_255 : i32
        %add3A_257 = arith.constant 0 : i32
        %add3A_258 = arith.addi %add3A_257, %mul3A_256 : i32
        %add3A_259 = arith.constant 150 : i32
        %add3A_260 = arith.addi %add3A_259, %add3A_258 : i32
        %get3A = arith.constant 1 : i32
        %get3A_261 = arith.index_cast %get3A : i32 to index
        %get3A_262 = arith.index_cast %add3A_260 : i32 to index
        %get3A_263 = arith.constant 0 : index
        %get3A_264 = tpu.vector_load %arg6[%get3A_261, %get3A_262, %get3A_263] {strides = array<i32>} : memref<2x200x128xf32, #tpu.memory_space<vmem>>, vector<1x1x16xf32>,
        %get3A_265 = vector.shape_cast %get3A_264 : vector<1x1x16xf32> to vector<16xf32>
        %swap3A = arith.constant 1 : i32
        %swap3A_266 = arith.constant 1 : i32
        %swap3A_267 = arith.index_cast %swap3A : i32 to index
        %swap3A_268 = arith.index_cast %swap3A_266 : i32 to index
        %swap3A_269 = arith.index_cast %add3A_258 : i32 to index
        %swap3A_270 = arith.constant 0 : index
        %swap3A_271 = tpu.vector_load %arg7[%swap3A_267, %swap3A_268, %swap3A_269, %swap3A_270] {strides = array<i32>} : memref<2x2x50x64xf32, #tpu.memory_space<vmem>>, vector<1x1x1x16xf32>,
        %swap3A_272 = vector.shape_cast %swap3A_271 : vector<1x1x1x16xf32> to vector<16xf32>
        %swap3A_273 = vector.shape_cast %get3A_265 : vector<16xf32> to vector<1x1x1x16xf32>
        tpu.vector_store %arg7[%swap3A_267, %swap3A_268, %swap3A_269, %swap3A_270], %swap3A_273 {strides = array<i32>} : memref<2x2x50x64xf32, #tpu.memory_space<vmem>>, vector<1x1x1x16xf32>,
        %add3A_274 = arith.constant 150 : i32
        %add3A_275 = arith.addi %add3A_274, %add3A_258 : i32
        %get3A_276 = arith.constant 1 : i32
        %get3A_277 = arith.index_cast %get3A_276 : i32 to index
        %get3A_278 = arith.index_cast %add3A_275 : i32 to index
        %get3A_279 = arith.constant 16 : index
        %get3A_280 = tpu.vector_load %arg6[%get3A_277, %get3A_278, %get3A_279] {strides = array<i32>} : memref<2x200x128xf32, #tpu.memory_space<vmem>>, vector<1x1x16xf32>,
        %get3A_281 = vector.shape_cast %get3A_280 : vector<1x1x16xf32> to vector<16xf32>
        %swap3A_282 = arith.constant 1 : i32
        %swap3A_283 = arith.constant 1 : i32
        %swap3A_284 = arith.index_cast %swap3A_282 : i32 to index
        %swap3A_285 = arith.index_cast %swap3A_283 : i32 to index
        %swap3A_286 = arith.index_cast %add3A_258 : i32 to index
        %swap3A_287 = arith.constant 16 : index
        %swap3A_288 = tpu.vector_load %arg7[%swap3A_284, %swap3A_285, %swap3A_286, %swap3A_287] {strides = array<i32>} : memref<2x2x50x64xf32, #tpu.memory_space<vmem>>, vector<1x1x1x16xf32>,
        %swap3A_289 = vector.shape_cast %swap3A_288 : vector<1x1x1x16xf32> to vector<16xf32>
        %swap3A_290 = vector.shape_cast %get3A_281 : vector<16xf32> to vector<1x1x1x16xf32>
        tpu.vector_store %arg7[%swap3A_284, %swap3A_285, %swap3A_286, %swap3A_287], %swap3A_290 {strides = array<i32>} : memref<2x2x50x64xf32, #tpu.memory_space<vmem>>, vector<1x1x1x16xf32>,
        %add3A_291 = arith.constant 150 : i32
        %add3A_292 = arith.addi %add3A_291, %add3A_258 : i32
        %get3A_293 = arith.constant 1 : i32
        %get3A_294 = arith.index_cast %get3A_293 : i32 to index
        %get3A_295 = arith.index_cast %add3A_292 : i32 to index
        %get3A_296 = arith.constant 32 : index
        %get3A_297 = tpu.vector_load %arg6[%get3A_294, %get3A_295, %get3A_296] {strides = array<i32>} : memref<2x200x128xf32, #tpu.memory_space<vmem>>, vector<1x1x16xf32>,
        %get3A_298 = vector.shape_cast %get3A_297 : vector<1x1x16xf32> to vector<16xf32>
        %swap3A_299 = arith.constant 1 : i32
        %swap3A_300 = arith.constant 1 : i32
        %swap3A_301 = arith.index_cast %swap3A_299 : i32 to index
        %swap3A_302 = arith.index_cast %swap3A_300 : i32 to index
        %swap3A_303 = arith.index_cast %add3A_258 : i32 to index
        %swap3A_304 = arith.constant 32 : index
        %swap3A_305 = tpu.vector_load %arg7[%swap3A_301, %swap3A_302, %swap3A_303, %swap3A_304] {strides = array<i32>} : memref<2x2x50x64xf32, #tpu.memory_space<vmem>>, vector<1x1x1x16xf32>,
        %swap3A_306 = vector.shape_cast %swap3A_305 : vector<1x1x1x16xf32> to vector<16xf32>
        %swap3A_307 = vector.shape_cast %get3A_298 : vector<16xf32> to vector<1x1x1x16xf32>
        tpu.vector_store %arg7[%swap3A_301, %swap3A_302, %swap3A_303, %swap3A_304], %swap3A_307 {strides = array<i32>} : memref<2x2x50x64xf32, #tpu.memory_space<vmem>>, vector<1x1x1x16xf32>,
        %add3A_308 = arith.constant 150 : i32
        %add3A_309 = arith.addi %add3A_308, %add3A_258 : i32
        %get3A_310 = arith.constant 1 : i32
        %get3A_311 = arith.index_cast %get3A_310 : i32 to index
        %get3A_312 = arith.index_cast %add3A_309 : i32 to index
        %get3A_313 = arith.constant 48 : index
        %get3A_314 = tpu.vector_load %arg6[%get3A_311, %get3A_312, %get3A_313] {strides = array<i32>} : memref<2x200x128xf32, #tpu.memory_space<vmem>>, vector<1x1x16xf32>,
        %get3A_315 = vector.shape_cast %get3A_314 : vector<1x1x16xf32> to vector<16xf32>
        %swap3A_316 = arith.constant 1 : i32
        %swap3A_317 = arith.constant 1 : i32
        %swap3A_318 = arith.index_cast %swap3A_316 : i32 to index
        %swap3A_319 = arith.index_cast %swap3A_317 : i32 to index
        %swap3A_320 = arith.index_cast %add3A_258 : i32 to index
        %swap3A_321 = arith.constant 48 : index
        %swap3A_322 = tpu.vector_load %arg7[%swap3A_318, %swap3A_319, %swap3A_320, %swap3A_321] {strides = array<i32>} : memref<2x2x50x64xf32, #tpu.memory_space<vmem>>, vector<1x1x1x16xf32>,
        %swap3A_323 = vector.shape_cast %swap3A_322 : vector<1x1x1x16xf32> to vector<16xf32>
        %swap3A_324 = vector.shape_cast %get3A_315 : vector<16xf32> to vector<1x1x1x16xf32>
        tpu.vector_store %arg7[%swap3A_318, %swap3A_319, %swap3A_320, %swap3A_321], %swap3A_324 {strides = array<i32>} : memref<2x2x50x64xf32, #tpu.memory_space<vmem>>, vector<1x1x1x16xf32>,
        %scan3A_325 = arith.constant 1 : i32
        %scan3A_326 = arith.addi %scan3A_254, %scan3A_325 : i32
        %mul3A_327 = arith.constant 1 : i32
        %mul3A_328 = arith.muli %scan3A_326, %mul3A_327 : i32
        %add3A_329 = arith.constant 0 : i32
        %add3A_330 = arith.addi %add3A_329, %mul3A_328 : i32
        %add3A_331 = arith.constant 150 : i32
        %add3A_332 = arith.addi %add3A_331, %add3A_330 : i32
        %get3A_333 = arith.constant 1 : i32
        %get3A_334 = arith.index_cast %get3A_333 : i32 to index
        %get3A_335 = arith.index_cast %add3A_332 : i32 to index
        %get3A_336 = arith.constant 0 : index
        %get3A_337 = tpu.vector_load %arg6[%get3A_334, %get3A_335, %get3A_336] {strides = array<i32>} : memref<2x200x128xf32, #tpu.memory_space<vmem>>, vector<1x1x16xf32>,
        %get3A_338 = vector.shape_cast %get3A_337 : vector<1x1x16xf32> to vector<16xf32>
        %swap3A_339 = arith.constant 1 : i32
        %swap3A_340 = arith.constant 1 : i32
        %swap3A_341 = arith.index_cast %swap3A_339 : i32 to index
        %swap3A_342 = arith.index_cast %swap3A_340 : i32 to index
        %swap3A_343 = arith.index_cast %add3A_330 : i32 to index
        %swap3A_344 = arith.constant 0 : index
        %swap3A_345 = tpu.vector_load %arg7[%swap3A_341, %swap3A_342, %swap3A_343, %swap3A_344] {strides = array<i32>} : memref<2x2x50x64xf32, #tpu.memory_space<vmem>>, vector<1x1x1x16xf32>,
        %swap3A_346 = vector.shape_cast %swap3A_345 : vector<1x1x1x16xf32> to vector<16xf32>
        %swap3A_347 = vector.shape_cast %get3A_338 : vector<16xf32> to vector<1x1x1x16xf32>
        tpu.vector_store %arg7[%swap3A_341, %swap3A_342, %swap3A_343, %swap3A_344], %swap3A_347 {strides = array<i32>} : memref<2x2x50x64xf32, #tpu.memory_space<vmem>>, vector<1x1x1x16xf32>,
        %add3A_348 = arith.constant 150 : i32
        %add3A_349 = arith.addi %add3A_348, %add3A_330 : i32
        %get3A_350 = arith.constant 1 : i32
        %get3A_351 = arith.index_cast %get3A_350 : i32 to index
        %get3A_352 = arith.index_cast %add3A_349 : i32 to index
        %get3A_353 = arith.constant 16 : index
        %get3A_354 = tpu.vector_load %arg6[%get3A_351, %get3A_352, %get3A_353] {strides = array<i32>} : memref<2x200x128xf32, #tpu.memory_space<vmem>>, vector<1x1x16xf32>,
        %get3A_355 = vector.shape_cast %get3A_354 : vector<1x1x16xf32> to vector<16xf32>
        %swap3A_356 = arith.constant 1 : i32
        %swap3A_357 = arith.constant 1 : i32
        %swap3A_358 = arith.index_cast %swap3A_356 : i32 to index
        %swap3A_359 = arith.index_cast %swap3A_357 : i32 to index
        %swap3A_360 = arith.index_cast %add3A_330 : i32 to index
        %swap3A_361 = arith.constant 16 : index
        %swap3A_362 = tpu.vector_load %arg7[%swap3A_358, %swap3A_359, %swap3A_360, %swap3A_361] {strides = array<i32>} : memref<2x2x50x64xf32, #tpu.memory_space<vmem>>, vector<1x1x1x16xf32>,
        %swap3A_363 = vector.shape_cast %swap3A_362 : vector<1x1x1x16xf32> to vector<16xf32>
        %swap3A_364 = vector.shape_cast %get3A_355 : vector<16xf32> to vector<1x1x1x16xf32>
        tpu.vector_store %arg7[%swap3A_358, %swap3A_359, %swap3A_360, %swap3A_361], %swap3A_364 {strides = array<i32>} : memref<2x2x50x64xf32, #tpu.memory_space<vmem>>, vector<1x1x1x16xf32>,
        %add3A_365 = arith.constant 150 : i32
        %add3A_366 = arith.addi %add3A_365, %add3A_330 : i32
        %get3A_367 = arith.constant 1 : i32
        %get3A_368 = arith.index_cast %get3A_367 : i32 to index
        %get3A_369 = arith.index_cast %add3A_366 : i32 to index
        %get3A_370 = arith.constant 32 : index
        %get3A_371 = tpu.vector_load %arg6[%get3A_368, %get3A_369, %get3A_370] {strides = array<i32>} : memref<2x200x128xf32, #tpu.memory_space<vmem>>, vector<1x1x16xf32>,
        %get3A_372 = vector.shape_cast %get3A_371 : vector<1x1x16xf32> to vector<16xf32>
        %swap3A_373 = arith.constant 1 : i32
        %swap3A_374 = arith.constant 1 : i32
        %swap3A_375 = arith.index_cast %swap3A_373 : i32 to index
        %swap3A_376 = arith.index_cast %swap3A_374 : i32 to index
        %swap3A_377 = arith.index_cast %add3A_330 : i32 to index
        %swap3A_378 = arith.constant 32 : index
        %swap3A_379 = tpu.vector_load %arg7[%swap3A_375, %swap3A_376, %swap3A_377, %swap3A_378] {strides = array<i32>} : memref<2x2x50x64xf32, #tpu.memory_space<vmem>>, vector<1x1x1x16xf32>,
        %swap3A_380 = vector.shape_cast %swap3A_379 : vector<1x1x1x16xf32> to vector<16xf32>
        %swap3A_381 = vector.shape_cast %get3A_372 : vector<16xf32> to vector<1x1x1x16xf32>
        tpu.vector_store %arg7[%swap3A_375, %swap3A_376, %swap3A_377, %swap3A_378], %swap3A_381 {strides = array<i32>} : memref<2x2x50x64xf32, #tpu.memory_space<vmem>>, vector<1x1x1x16xf32>,
        %add3A_382 = arith.constant 150 : i32
        %add3A_383 = arith.addi %add3A_382, %add3A_330 : i32
        %get3A_384 = arith.constant 1 : i32
        %get3A_385 = arith.index_cast %get3A_384 : i32 to index
        %get3A_386 = arith.index_cast %add3A_383 : i32 to index
        %get3A_387 = arith.constant 48 : index
        %get3A_388 = tpu.vector_load %arg6[%get3A_385, %get3A_386, %get3A_387] {strides = array<i32>} : memref<2x200x128xf32, #tpu.memory_space<vmem>>, vector<1x1x16xf32>,
        %get3A_389 = vector.shape_cast %get3A_388 : vector<1x1x16xf32> to vector<16xf32>
        %swap3A_390 = arith.constant 1 : i32
        %swap3A_391 = arith.constant 1 : i32
        %swap3A_392 = arith.index_cast %swap3A_390 : i32 to index
        %swap3A_393 = arith.index_cast %swap3A_391 : i32 to index
        %swap3A_394 = arith.index_cast %add3A_330 : i32 to index
        %swap3A_395 = arith.constant 48 : index
        %swap3A_396 = tpu.vector_load %arg7[%swap3A_392, %swap3A_393, %swap3A_394, %swap3A_395] {strides = array<i32>} : memref<2x2x50x64xf32, #tpu.memory_space<vmem>>, vector<1x1x1x16xf32>,
        %swap3A_397 = vector.shape_cast %swap3A_396 : vector<1x1x1x16xf32> to vector<16xf32>
        %swap3A_398 = vector.shape_cast %get3A_389 : vector<16xf32> to vector<1x1x1x16xf32>
        tpu.vector_store %arg7[%swap3A_392, %swap3A_393, %swap3A_394, %swap3A_395], %swap3A_398 {strides = array<i32>} : memref<2x2x50x64xf32, #tpu.memory_space<vmem>>, vector<1x1x1x16xf32>,
      }
      %scan3A_226 = arith.constant 50 : i32
      %mul3A_227 = arith.constant 4 : i32
      %mul3A_228 = arith.muli %add3A_159, %mul3A_227 : i32
      %add3A_229 = arith.addi %mul3A_2, %mul3A_228 : i32
      %add3A_230 = arith.constant 2 : i32
      %add3A_231 = arith.addi %add3A_229, %add3A_230 : i32
      %dma_start3A_232 = arith.constant 1 : i32
      %dma_start3A_233 = arith.constant 0 : i32
      %dma_start3A_234 = arith.constant 0 : i32
      %dma_start3A_235 = arith.constant 0 : i32
      %dma_start3A_236 = tpu.memref_slice %arg7[%dma_start3A_232, %dma_start3A_233, %dma_start3A_234, %dma_start3A_235] : memref<2x2x50x64xf32, #tpu.memory_space<vmem>> -> memref<1x2x50x64xf32, #tpu.memory_space<vmem>>
      %dma_start3A_237 = tpu.memref_squeeze %dma_start3A_236 : memref<1x2x50x64xf32, #tpu.memory_space<vmem>> -> memref<2x50x64xf32, #tpu.memory_space<vmem>>
      %dma_start3A_238 = arith.constant 0 : i32
      %dma_start3A_239 = arith.constant 0 : i32
      %dma_start3A_240 = tpu.memref_slice %arg4[%add3A_231, %dma_start3A_238, %dma_start3A_239] : memref<16384x50x64xf32, #tpu.memory_space<hbm>> -> memref<2x50x64xf32, #tpu.memory_space<hbm>>
      %dma_start3A_241 = arith.constant 0 : i32
      %dma_start3A_242 = arith.constant 0 : i32
      %dma_start3A_243 = tpu.memref_slice %arg4[%add3A_231, %dma_start3A_241, %dma_start3A_242] : memref<16384x50x64xf32, #tpu.memory_space<hbm>> -> memref<2x50x64xf32, #tpu.memory_space<hbm>>
      %dma_start3A_244 = arith.constant 0 : i32
      %dma_start3A_245 = arith.constant 0 : i32
      %dma_start3A_246 = arith.constant 0 : i32
      %dma_start3A_247 = tpu.memref_slice %arg7[%dma_start3A_232, %dma_start3A_244, %dma_start3A_245, %dma_start3A_246] : memref<2x2x50x64xf32, #tpu.memory_space<vmem>> -> memref<1x2x50x64xf32, #tpu.memory_space<vmem>>
      %dma_start3A_248 = tpu.memref_squeeze %dma_start3A_247 : memref<1x2x50x64xf32, #tpu.memory_space<vmem>> -> memref<2x50x64xf32, #tpu.memory_space<vmem>>
      tpu.enqueue_dma source(%dma_start3A_248 : memref<2x50x64xf32, #tpu.memory_space<vmem>>) target(%dma_start3A_243 : memref<2x50x64xf32, #tpu.memory_space<hbm>>) target_semaphore(%arg11 : memref<!tpu.dma_semaphore, #tpu.memory_space<semaphore_mem>>)
      %lt3A_249 = arith.constant 126 : i32
      %lt3A_250 = arith.cmpi slt, %add3A_159, %lt3A_249 : i32
      %convert_element_type3A_251 = arith.extui %lt3A_250 : i1 to i32
      %cond3A_252 = arith.constant 0 : i32
      %cond3A_253 = arith.cmpi ne, %convert_element_type3A_251, %cond3A_252 : i32
      scf.if %cond3A_253 {
        %add3A_254 = arith.constant 2 : i32
        %add3A_255 = arith.addi %add3A_159, %add3A_254 : i32
        %mul3A_256 = arith.constant 200 : i32
        %mul3A_257 = arith.muli %add3A_255, %mul3A_256 : i32
        %dma_start3A_258 = arith.constant 1 : i32
        %dma_start3A_259 = arith.constant 0 : i32
        %dma_start3A_260 = arith.constant 0 : i32
        %dma_start3A_261 = tpu.memref_slice %arg6[%dma_start3A_258, %dma_start3A_259, %dma_start3A_260] : memref<2x200x128xf32, #tpu.memory_space<vmem>> -> memref<1x200x128xf32, #tpu.memory_space<vmem>>
        %dma_start3A_262 = tpu.memref_squeeze %dma_start3A_261 : memref<1x200x128xf32, #tpu.memory_space<vmem>> -> memref<200x128xf32, #tpu.memory_space<vmem>>
        %dma_start3A_263 = tpu.memref_slice %arg5[%mul3A_257] : memref<25600xi32, #tpu.memory_space<vmem>> -> memref<200xi32, #tpu.memory_space<vmem>>
        %dma_start3A_264 = arith.constant 0 : i32
        %dma_start3A_265 = arith.constant 0 : i32
        %dma_start3A_266 = tpu.memref_slice %arg2[%dma_start3A_264, %dma_start3A_265] : memref<100000x128xf32, #tpu.memory_space<hbm>> -> memref<100000x128xf32, #tpu.memory_space<hbm>>
        tpu.enqueue_indirect_dma source(%dma_start3A_266 : memref<100000x128xf32, #tpu.memory_space<hbm>>) target(%dma_start3A_262 : memref<200x128xf32, #tpu.memory_space<vmem>>) offsets(%dma_start3A_263 : memref<200xi32, #tpu.memory_space<vmem>>) semaphore(%arg9 : memref<!tpu.dma_semaphore, #tpu.memory_space<semaphore_mem>>)
      } else {
      }
    }
    %scan3A_27 = arith.constant 64 : i32
    %dma_wait3A = arith.constant 0 : i32
    %dma_wait3A_28 = arith.constant 0 : i32
    %dma_wait3A_29 = arith.constant 0 : i32
    %dma_wait3A_30 = arith.constant 0 : i32
    %dma_wait3A_31 = tpu.memref_slice %arg7[%dma_wait3A, %dma_wait3A_28, %dma_wait3A_29, %dma_wait3A_30] : memref<2x2x50x64xf32, #tpu.memory_space<vmem>> -> memref<1x2x50x64xf32, #tpu.memory_space<vmem>>
    %dma_wait3A_32 = tpu.memref_squeeze %dma_wait3A_31 : memref<1x2x50x64xf32, #tpu.memory_space<vmem>> -> memref<2x50x64xf32, #tpu.memory_space<vmem>>
    %dma_wait3A_33 = arith.constant 0 : i32
    %dma_wait3A_34 = arith.constant 0 : i32
    %dma_wait3A_35 = tpu.memref_slice %arg4[%mul3A_2, %dma_wait3A_33, %dma_wait3A_34] : memref<16384x50x64xf32, #tpu.memory_space<hbm>> -> memref<2x50x64xf32, #tpu.memory_space<hbm>>
    %dma_wait3A_36 = arith.constant 0 : i32
    %dma_wait3A_37 = arith.constant 0 : i32
    %dma_wait3A_38 = tpu.memref_slice %arg4[%mul3A_2, %dma_wait3A_36, %dma_wait3A_37] : memref<16384x50x64xf32, #tpu.memory_space<hbm>> -> memref<2x50x64xf32, #tpu.memory_space<hbm>>
    %dma_wait3A_39 = arith.constant 0 : i32
    %dma_wait3A_40 = arith.constant 0 : i32
    %dma_wait3A_41 = arith.constant 0 : i32
    %dma_wait3A_42 = tpu.memref_slice %arg7[%dma_wait3A, %dma_wait3A_39, %dma_wait3A_40, %dma_wait3A_41] : memref<2x2x50x64xf32, #tpu.memory_space<vmem>> -> memref<1x2x50x64xf32, #tpu.memory_space<vmem>>
    %dma_wait3A_43 = tpu.memref_squeeze %dma_wait3A_42 : memref<1x2x50x64xf32, #tpu.memory_space<vmem>> -> memref<2x50x64xf32, #tpu.memory_space<vmem>>
    tpu.wait_dma2 semaphore(%arg10 : memref<!tpu.dma_semaphore, #tpu.memory_space<semaphore_mem>>) src(%dma_wait3A_43 : memref<2x50x64xf32, #tpu.memory_space<vmem>>) dst(%dma_wait3A_38 : memref<2x50x64xf32, #tpu.memory_space<hbm>>)
    %dma_wait3A_44 = arith.constant 1 : i32
    %dma_wait3A_45 = arith.constant 0 : i32
    %dma_wait3A_46 = arith.constant 0 : i32
    %dma_wait3A_47 = arith.constant 0 : i32
    %dma_wait3A_48 = tpu.memref_slice %arg7[%dma_wait3A_44, %dma_wait3A_45, %dma_wait3A_46, %dma_wait3A_47] : memref<2x2x50x64xf32, #tpu.memory_space<vmem>> -> memref<1x2x50x64xf32, #tpu.memory_space<vmem>>
    %dma_wait3A_49 = tpu.memref_squeeze %dma_wait3A_48 : memref<1x2x50x64xf32, #tpu.memory_space<vmem>> -> memref<2x50x64xf32, #tpu.memory_space<vmem>>
    %dma_wait3A_50 = arith.constant 0 : i32
    %dma_wait3A_51 = arith.constant 0 : i32
    %dma_wait3A_52 = tpu.memref_slice %arg4[%mul3A_2, %dma_wait3A_50, %dma_wait3A_51] : memref<16384x50x64xf32, #tpu.memory_space<hbm>> -> memref<2x50x64xf32, #tpu.memory_space<hbm>>
    %dma_wait3A_53 = arith.constant 0 : i32
    %dma_wait3A_54 = arith.constant 0 : i32
    %dma_wait3A_55 = tpu.memref_slice %arg4[%mul3A_2, %dma_wait3A_53, %dma_wait3A_54] : memref<16384x50x64xf32, #tpu.memory_space<hbm>> -> memref<2x50x64xf32, #tpu.memory_space<hbm>>
    %dma_wait3A_56 = arith.constant 0 : i32
    %dma_wait3A_57 = arith.constant 0 : i32
    %dma_wait3A_58 = arith.constant 0 : i32
    %dma_wait3A_59 = tpu.memref_slice %arg7[%dma_wait3A_44, %dma_wait3A_56, %dma_wait3A_57, %dma_wait3A_58] : memref<2x2x50x64xf32, #tpu.memory_space<vmem>> -> memref<1x2x50x64xf32, #tpu.memory_space<vmem>>
    %dma_wait3A_60 = tpu.memref_squeeze %dma_wait3A_59 : memref<1x2x50x64xf32, #tpu.memory_space<vmem>> -> memref<2x50x64xf32, #tpu.memory_space<vmem>>
    tpu.wait_dma2 semaphore(%arg11 : memref<!tpu.dma_semaphore, #tpu.memory_space<semaphore_mem>>) src(%dma_wait3A_60 : memref<2x50x64xf32, #tpu.memory_space<vmem>>) dst(%dma_wait3A_55 : memref<2x50x64xf32, #tpu.memory_space<hbm>>)
    return
  }
}

</mosaic_0001>

<sc_bundles>
// kernel: kernel.3.cloned.1.call-start
scs
__scs_entry_jumppad:
0x0: {  	(pc) =	sbr.rel $0x88, $3  }
0x1: {  	(tag) =	ssettag $0x0;
	lr =	simm.s32 $0x1  }
0x2: {  	[smem:$0x3F9F] =	sst lr;
	_ =	strace $0xD0000000  }
0x3: {  	_ = 	snop  }
0x4: {  	_ = 	snop  }
0x5: {  	_ = 	snop  }
0x6: {  	_ = 	snop  }
0x7: {  	_ = 	snop  }
__scs_overlays_trampoline_lowered:
0x8: {  	[smem:$0x3FAE] =	sst s0  }
0x9: {  	[smem:$0x3FAF] =	sst s1  }
0xa: {  	[smem:$0x3FB0] =	sst s2  }
0xb: {  	[smem:$0x3FB1] =	sst s3  }
0xc: {  	[smem:$0x3FB2] =	sst s4  }
0xd: {  	[smem:$0x3FB3] =	sst s5  }
0xe: {  	[smem:$0x3FB4] =	sst s6  }
0xf: {  	[smem:$0x3FB5] =	sst s7  }
0x10: {  	[smem:$0x3FB6] =	sst s8  }
0x11: {  	[smem:$0x3FB7] =	sst s9;
	s0 =	simm.s32 @!p0 $0x0  }
0x12: {  	s1 =	sld [smem:$0x3F9D];
	s0 =	simm.s32 @p0 $0x1  }
0x13: {  	[smem:$0x3FB8] =	sst s0;
	s0 =	simm.s32 @!p1 $0x0  }
0x14: {  	s2 =	sld [smem:$0x3F9C];
	s0 =	simm.s32 @p1 $0x1  }
0x15: {  	[smem:$0x3FB9] =	sst s0;
	s0 =	simm.s32 @!p2 $0x0  }
0x16: {  	s3 =	sld [smem:$0x3FDB];
	s0 =	simm.s32 @p2 $0x1  }
0x17: {  	s4 =	simm.s32 $0x1BF5;
	[smem:$0x3FBB] =	sst s0  }
0x18: {  	s0 =	sld [smem:$0x3F9E];
	_ =	swait.ge [sflag:s4], $0x0  }
0x19: {  	s7 =	sld [smem:$0x3F9F]  }
0x1a: {  	s8 =	sadd.s32 $0xFFFFE003, lr  }
0x1b: {  	s9 =	sadd.s32 $0xFFFFFEF7, lr;
	s5 =	simm.s32 $0xFFFFFFFF;
	p2 =	slt.u32 s8, $0xFFFFF086  }
0x1c: {  	p1 =	slt.u32 s9, $0xF7A;
	s5 =	simm.s32 @!p2 $0x0  }
0x1d: {  	s5 =	simm.s32 @p1 $0x1;
	p0 =	seq.s32 s7, s2  }
0x1e: {  	s7 =	smul.u32 @!p0 $0xF7A, s2;
	p2 =	seq.s32 @!p0 s5, $0x0  }
0x1f: {  	s9 =	smul.u32 $0xF7A, s1;
	s8 =	simm.s32 @!p0 $0x1BF5;
	p2 =	por !p2, p0  }
0x20: {  	[sflag:s8] =	ssyncset.s32 @!p0 $0xFFFFF086;
	s6 =	sadd.s32 @!p0 s3, s7;
	s7 =	simm.s32 @!p0 $0x108  }
0x21: {  	s3 =	sadd.s32 s3, s9;
	s6 =	sadd.s32 @!p0 $0x88, s6;
	s7 =	simm.s32 @p2 $0x1082  }
0x22: {  	[simem:s7], [sflag:s8] =	dma.local @!p0 [hbm:s6], $0xF7A  }
0x23: {  	s9 =	sor.u32 $0xD0000000, s2;
	s6 =	simm.s32 $0x108;
	_ =	swait.ge @!p0 [sflag:s8], $0x0  }
0x24: {  	s3 =	sadd.s32 $0x88, s3;
	s6 =	simm.s32 @!p1 $0x1082;
	[sflag:s4] =	ssyncset.s32 $0xFFFFF086  }
0x25: {  	[simem:s6], [sflag:s4] =	dma.local [hbm:s3], $0xF7A  }
0x26: {  	[smem:$0x3F9F] =	sst s1;
	(tag) =	ssettag s2;
	_ =	strace s9  }
0x27: {  	s1 =	sld [smem:$0x3FAF]  }
0x28: {  	s2 =	sld [smem:$0x3FB0]  }
0x29: {  	s4 =	sld [smem:$0x3FB2]  }
0x2a: {  	p0 =	seq.s32 s5, $0x0;
	s5 =	sld [smem:$0x3FB3]  }
0x2b: {  	s6 =	sld [smem:$0x3FB4]  }
0x2c: {  	s7 =	sld [smem:$0x3FB5]  }
0x2d: {  	s3 =	simm.s32 $0x108;
	s8 =	sld [smem:$0x3FB6]  }
0x2e: {  	s3 =	simm.s32 @!p0 $0x1082;
	s9 =	sld [smem:$0x3FB7]  }
0x2f: {  	lr =	sadd.s32 s0, s3;
	s0 =	sld [smem:$0x3FAE]  }
0x30: {  	s3 =	sld [smem:$0x3FB1]  }
0x31: {  	[smem:$0x3FBA] =	sst s10  }
0x32: {  	s10 =	sld [smem:$0x3FB8];
	_ =	sdelay $0x3  }
0x33: {  	p0 =	seq.s32 s10, $0x1;
	s10 =	sld [smem:$0x3FBA];
	_ =	sdelay $0x3  }
0x34: {  	[smem:$0x3FBA] =	sst s10  }
0x35: {  	s10 =	sld [smem:$0x3FB9];
	_ =	sdelay $0x3  }
0x36: {  	p1 =	seq.s32 s10, $0x1;
	s10 =	sld [smem:$0x3FBA];
	_ =	sdelay $0x3  }
0x37: {  	[smem:$0x3FBA] =	sst s10  }
0x38: {  	s10 =	sld [smem:$0x3FBB]  }
0x39: {  	_ = 	snop;
	(pc) =	sbr.ind lr, $3  }
0x3a: {  	_ = 	snop  }
0x3b: {  	_ = 	snop  }
0x3c: {  	p2 =	seq.s32 s10, $0x1;
	s10 =	sld [smem:$0x3FBA]  }
0x3d: {  	_ =	shalt  }
0x3e: {  	_ =	shalt  }
0x3f: {  	_ =	shalt  }
0x40: {  	_ =	shalt  }
0x41: {  	_ =	shalt  }
0x42: {  	_ =	shalt  }
0x43: {  	_ =	shalt  }
0x44: {  	_ =	shalt  }
0x45: {  	_ =	shalt  }
0x46: {  	_ =	shalt  }
0x47: {  	_ =	shalt  }
0x48: {  	_ =	shalt  }
0x49: {  	_ =	shalt  }
0x4a: {  	_ =	shalt  }
0x4b: {  	_ =	shalt  }
0x4c: {  	_ =	shalt  }
0x4d: {  	_ =	shalt  }
0x4e: {  	_ =	shalt  }
0x4f: {  	_ =	shalt  }
0x50: {  	_ =	shalt  }
0x51: {  	_ =	shalt  }
0x52: {  	_ =	shalt  }
0x53: {  	_ =	shalt  }
0x54: {  	_ =	shalt  }
0x55: {  	_ =	shalt  }
0x56: {  	_ =	shalt  }
0x57: {  	_ =	shalt  }
0x58: {  	_ =	shalt  }
0x59: {  	_ =	shalt  }
0x5a: {  	_ =	shalt  }
0x5b: {  	_ =	shalt  }
0x5c: {  	_ =	shalt  }
0x5d: {  	_ =	shalt  }
0x5e: {  	_ =	shalt  }
0x5f: {  	_ =	shalt  }
0x60: {  	_ =	shalt  }
0x61: {  	_ =	shalt  }
0x62: {  	_ =	shalt  }
0x63: {  	_ =	shalt  }
0x64: {  	_ =	shalt  }
0x65: {  	_ =	shalt  }
0x66: {  	_ =	shalt  }
0x67: {  	_ =	shalt  }
0x68: {  	_ =	shalt  }
0x69: {  	_ =	shalt  }
0x6a: {  	_ =	shalt  }
0x6b: {  	_ =	shalt  }
0x6c: {  	_ =	shalt  }
0x6d: {  	_ =	shalt  }
0x6e: {  	_ =	shalt  }
0x6f: {  	_ =	shalt  }
0x70: {  	_ =	shalt  }
0x71: {  	_ =	shalt  }
0x72: {  	_ =	shalt  }
0x73: {  	_ =	shalt  }
0x74: {  	_ =	shalt  }
0x75: {  	_ =	shalt  }
0x76: {  	_ =	shalt  }
0x77: {  	_ =	shalt  }
0x78: {  	_ =	shalt  }
0x79: {  	_ =	shalt  }
0x7a: {  	_ =	shalt  }
0x7b: {  	_ =	shalt  }
0x7c: {  	_ =	shalt  }
0x7d: {  	_ =	shalt  }
0x7e: {  	_ =	shalt  }
0x7f: {  	_ =	shalt  }
0x80: {  	_ =	shalt  }
0x81: {  	_ =	shalt  }
0x82: {  	_ =	shalt  }
0x83: {  	_ =	shalt  }
0x84: {  	_ =	shalt  }
0x85: {  	_ =	shalt  }
0x86: {  	_ =	shalt  }
0x87: {  	_ =	shalt  }
.Lfunc_end0:
.L_simem_size_0:
called_computation_lowered:
.L_overlay_start_0:
0x88: {  	s2 =	sld [smem:$0x3FD9]  }
0x89: {  	s3 =	sld [smem:$0x3FFE];
	_ =	sdelay $0x1  }
0x8a: {  	s1 =	srdreg.scid  }
0x8b: {  	s0 =	sand.u32 $0x1, s1  }
0x8c: {  	s16 =	sshll.u32 s0, $0xA;
	s2 =	sadd.s32 s3, s2  }
0x8d: {  	s2 =	sadd.s32 s2, s16  }
0x8e: {  	[smem:$0x3FC6] =	sst s2  }
0x8f: {  	_ = 	snop  }
0x90: {  	(tm) =	ssettm $0x1  }
0x91: {  	s17 =	sld [smem:$0x3FFB];
	_ =	sdelay $0x3  }
0x92: {  	_ =	strace s17  }
0x93: {  	s2 =	sld [smem:$0x3FFC];
	_ =	sdelay $0x3  }
0x94: {  	_ =	strace s2  }
0x95: {  	s2 =	sld [smem:$0x3FFD];
	_ =	sdelay $0x3  }
0x96: {  	_ =	strace s2  }
0x97: {  	_ =	strace $0x8FFFFFFF  }
0x98: {  	s18 =	sld [smem:$0x3FDB];
	_ =	sdelay $0x1  }
0x99: {  	s19 =	simm.s32 $_scs_section_size  }
0x9a: {  	s4 =	simm.s32 $_size__tile_overlayer_lowered;
	s5 =	simm.s32 $_tile_overlayer_lowered  }
0x9b: {  	s22 =	simm.s32 $0x1BFF;
	s21 =	sshll.u32 s5, $0x1;
	s2 =	sadd.s32 s19, s18  }
0x9c: {  	s6 =	simm.s32 $0x0;
	s20 =	sshll.u32 s4, $0x1;
	s4 =	sadd.s32 s21, s2  }
0x9d: {  	[timem:s6], [sflag:s22] =	dma.local [hbm:s4], s20  }
0x9e: {  	_ =	swait.ge [sflag:s22], s20  }
0x9f: {  	s3 =	ssub.s32 $0x0, s20;
	[sflag:s22] =	ssyncset.done $0x0  }
0xa0: {  	[sflag:s22] =	ssyncadd.s32 s3;
	_ =	sdelay $0x1  }
0xa1: {  	s23 =	simm.s32 $0x1B8B  }
0xa2: {  	_ =	swait.ge [sflag:s23], $0x1  }
0xa3: {  	[sflag:s23] =	ssyncset.done $0x0  }
0xa4: {  	s25 =	simm.s32 $0x1B8E;
	s24 =	sld [smem:$0x3FFE];
	[sflag:s23] =	ssyncadd.s32 $0xFFFFFFFF  }
0xa5: {  	s26 =	simm.s32 $execute0_lowered;
	[smem:$0x3FD2] =	sst s25  }
0xa6: {  	s4 =	sshll.u32 s26, $0x1;
	_ =	strace $0x80000046;
	[dreg:$0x1] =	wrdreg $0xFFFFFFFF  }
0xa7: {  	s28 =	simm.s32 $_size_execute0_lowered;
	s2 =	sadd.s32 s2, s4;
	[dreg:$0x0] =	wrdreg $0x0  }
0xa8: {  	s4 =	sshll.u32 s28, $0x1;
	[dreg:$0x2] =	wrdreg s2  }
0xa9: {  	[dreg:$0x3] =	wrdreg s4  }
0xaa: {  	[dreg:$0x4] =	wrdreg $0xC0  }
0xab: {  	_ =	task [dreg:s6], $0x5FFFF  }
0xac: {  	[dreg:$0x1] =	wrdreg $0xFFFFFFFF  }
0xad: {  	[dreg:$0x0] =	wrdreg $0x60  }
0xae: {  	[dreg:$0x2] =	wrdreg s24  }
0xaf: {  	[dreg:$0x3] =	wrdreg $0x9  }
0xb0: {  	_ =	task.clear_ibuf [dreg:s6], $0x4FFFF;
	_ =	strace $0x90000046  }
0xb1: {  	s29 =	simm.s32 $0x9;
	_ =	strace $0x80000048  }
0xb2: {  	_ =	swait.ge [sflag:s29], $0x1  }
0xb3: {  	[sflag:s29] =	ssyncadd.s32 $0xFFFFFFFF  }
0xb4: {  	_ =	strace $0x90000048  }
0xb5: {  	_ =	sfence  }
0xb6: {  	s30 =	sld [smem:$0x0];
	_ =	sdelay $0x2  }
0xb7: {  	s31 =	sshll.u32 s1, $0xD;
	s1 =	sshrl.u32 s1, $0x2  }
0xb8: {  	s3 =	sand.u32 $0x4000, s31;
	s1 =	sadd.s32 s1, s30  }
0xb9: {  	s0 =	sor.u32 s3, s0;
	s1 =	sshll.u32 s1, $0x11  }
0xba: {  	s0 =	sor.u32 s1, s0  }
0xbb: {  	s0 =	sadd.s32 $0x8F2B, s0  }
0xbc: {  	[sflag:s0] =	ssyncadd.remote.s32 $0x1  }
0xbd: {  	_ =	sfence.sel $0xFFFF  }
0xbe: {  	[dreg:$0x0] =	wrdreg $0xFFFFFFFF;
	(pc) =	sbr.abs _section_cstart, $3  }
0xbf: {  	[dreg:$0x1] =	wrdreg $0xFFFFFFFF  }
0xc0: {  	_ =	task.clear_ibuf [dreg:s6], $0x2FFFF;
	_ =	strace $0x9FFFFFFF  }
0xc1: {  	(tm) =	ssettm $0x7FFFFFFF  }
tec
execute0_lowered:
.L_overlay_start_1:
0x0: {  	(tag) =	ssettag $0x1  }
0x1: {  	s1 =	srdreg.scid  }
0x2: {  	s0 =	stileid.u32;
	s4 =	rddreg [dreg:$0x0];
	s2 =	simm.s32 $0x0  }
0x3: {  	s9 =	simm.s32 $0xC8;
	s10 =	simm.s32 $0x6400;
	s11 =	simm.s32 $0xC800  }
0x4: {  	s12 =	simm.s32 $0x1;
	s13 =	simm.s32 $0x12C00;
	s14 =	simm.s32 $0x14800  }
0x5: {  	s15 =	simm.s32 $0x16400;
	s16 =	simm.s32 $0x18000;
	s17 =	simm.s32 $0x2  }
0x6: {  	s18 =	simm.s32 $0x3;
	s19 =	simm.s32 $0x4;
	s20 =	simm.s32 $0x0  }
0x7: {  	s3 =	sand.u32 $0x1, s1;
	s5 =	sshll.u32 s0, $0x1;
	s1 =	rddreg [dreg:$0x1]  }
.Ltmp0:
0x8: {  	[smem:$0x7FF] =	sst s2;
	s5 =	sor.u32 s3, s5;
	(pc) =	sbr.rel .LBB2_1-.Ltmp0, $4  }
0x9: {  	_ =	strace $0x80000047;
	s7 =	ssub.s32 $0x2, s3;
	s6 =	smul.u32 $0xC80, s5  }
0xa: {  	s3 =	sadd.s32 $0x19400, s4;
	s8 =	sshrl.u32 s7, $0x1;
	s5 =	sshll.u32 s5, $0x9  }
0xb: {  	s7 =	ssub.s32 s7, s8;
	s8 =	simm.s32 $0x5;
	s6 =	sadd.s32 s6, s4  }
0xc: {  	s4 =	sadd.s32 $0x19FE00, s4;
	s7 =	smax.u32 s7, $0x1;
	s6 =	sadd.s32 $0x400, s6  }
.LBB2_20:
0xd: {  	s20 =	sadd.s32 $0x1, s20  }
0xe: {  	_ =	swait.ge [sflag:s18], $0x3200;
	p0 =	sne.s32 s20, s7  }
.Ltmp1:
0xf: {  	[sflag:s18] =	ssyncset.done $0x0;
	(pc) =	sbr.rel @!p0 .LBB2_21-.Ltmp1, $4  }
0x10: {  	[sflag:s18] =	ssyncadd.s32 $0xFFFFCE00  }
0x11: {  	_ =	swait.ge [sflag:s19], $0x3200  }
0x12: {  	[sflag:s19] =	ssyncset.done $0x0  }
0x13: {  	[sflag:s19] =	ssyncadd.s32 $0xFFFFCE00  }
.LBB2_1:
0x14: {  	[tilespmem:s2], [sflag:$0x5] =	stream.linear.gather [hbm4b:s6+s2], $0x6400, $0x38;
	[tilespmem:$0x19C00] =	vst v63  }
0x15: {  	_ =	swait.ge [sflag:s8], $0x6400  }
0x16: {  	[sflag:s8] =	ssyncset.done $0x0  }
0x17: {  	[sflag:s8] =	ssyncadd.s32 $0xFFFF9C00  }
0x18: {  	[tilespmem:s10], [sflag:$0x1] =	stream.indirect.gather [hbm4b:s3+s9], $0x80, s2, s9, $0xb8;
	[tilespmem:$0x19C00] =	vst v63  }
0x19: {  	s21 =	simm.s32 $0x0  }
0x1a: {  	[tilespmem:s11], [sflag:$0x2] =	stream.indirect.gather [hbm4b:s3+s9], $0x80, s9, s9, $0xb8;
	[tilespmem:$0x19C00] =	vst v63  }
.LBB2_2:
0x1b: {  	_ =	swait.ge [sflag:s12], $0x6400  }
0x1c: {  	p0 =	seq.s32 s21, $0x0;
	[sflag:s12] =	ssyncset.done $0x0  }
0x1d: {  	s22 =	simm.s32 @!p0 $0x3;
	[sflag:s12] =	ssyncadd.s32 $0xFFFF9C00  }
0x1e: {  	_ =	swait.ge @!p0 [sflag:s22], $0x3200  }
0x1f: {  	[sflag:s22] =	ssyncset.done @!p0 $0x0  }
0x20: {  	s31 =	simm.s32 $0x6480;
	[sflag:s22] =	ssyncadd.s32 @!p0 $0xFFFFCE00  }
0x21: {  	v0 =	vld [tilespmem:s31+$0xFFFFFF80];
	_ =	sdelay $0x3  }
0x22: {  	s23 =	simm.s32 $0x12C80  }
0x23: {  	[tilespmem:s23+$0xFFFFFF80] =	vst v0  }
0x24: {  	v0 =	vld [tilespmem:s31+$0xFFFFFF90];
	_ =	sdelay $0x4  }
0x25: {  	[tilespmem:s23+$0xFFFFFF90] =	vst v0  }
0x26: {  	v0 =	vld [tilespmem:s31+$0xFFFFFFA0];
	_ =	sdelay $0x4  }
0x27: {  	[tilespmem:s23+$0xFFFFFFA0] =	vst v0  }
0x28: {  	v0 =	vld [tilespmem:s31+$0xFFFFFFB0];
	_ =	sdelay $0x4  }
0x29: {  	[tilespmem:s23+$0xFFFFFFB0] =	vst v0  }
0x2a: {  	v0 =	vld [tilespmem:s31+$0x0];
	_ =	sdelay $0x4  }
0x2b: {  	[tilespmem:s23+$0x0] =	vst v0  }
0x2c: {  	v0 =	vld [tilespmem:s31+$0x10];
	_ =	sdelay $0x4  }
0x2d: {  	[tilespmem:s23+$0x10] =	vst v0  }
0x2e: {  	v0 =	vld [tilespmem:s31+$0x20];
	_ =	sdelay $0x4  }
0x2f: {  	[tilespmem:s23+$0x20] =	vst v0  }
0x30: {  	v0 =	vld [tilespmem:s31+$0x30];
	_ =	sdelay $0x3  }
0x31: {  	s25 =	simm.s32 $0x0  }
0x32: {  	s26 =	simm.s32 $0x6580;
	s24 =	simm.s32 $0x7DB0;
	s22 =	simm.s32 $0x148B0;
	[tilespmem:s23+$0x30] =	vst v0  }
.LBB2_3:
0x33: {  	v0 =	vld [tilespmem:s26+$0xFFFFFF80];
	s25 =	sadd.s32 $0x2, s25  }
0x34: {  	p1 =	slt.u32 s25, $0x30;
	_ =	sdelay $0x2  }
0x35: {  	s23 =	sadd.s32 $0x100, s23  }
0x36: {  	[tilespmem:s23+$0xFFFFFF80] =	vst v0  }
0x37: {  	v0 =	vld [tilespmem:s26+$0xFFFFFF90];
	_ =	sdelay $0x4  }
0x38: {  	[tilespmem:s23+$0xFFFFFF90] =	vst v0  }
0x39: {  	v0 =	vld [tilespmem:s26+$0xFFFFFFA0];
	_ =	sdelay $0x4  }
0x3a: {  	[tilespmem:s23+$0xFFFFFFA0] =	vst v0  }
0x3b: {  	v0 =	vld [tilespmem:s26+$0xFFFFFFB0];
	_ =	sdelay $0x4  }
0x3c: {  	[tilespmem:s23+$0xFFFFFFB0] =	vst v0  }
0x3d: {  	v0 =	vld [tilespmem:s26+$0x0];
	_ =	sdelay $0x4  }
0x3e: {  	[tilespmem:s23+$0x0] =	vst v0  }
0x3f: {  	v0 =	vld [tilespmem:s26+$0x10];
	_ =	sdelay $0x4  }
0x40: {  	[tilespmem:s23+$0x10] =	vst v0  }
0x41: {  	v0 =	vld [tilespmem:s26+$0x20];
	_ =	sdelay $0x4  }
0x42: {  	[tilespmem:s23+$0x20] =	vst v0  }
0x43: {  	v0 =	vld [tilespmem:s26+$0x30]  }
.Ltmp2:
0x44: {  	(pc) =	sbr.rel @p1 .LBB2_3-.Ltmp2, $2  }
0x45: {  	_ =	sdelay $0x2  }
0x46: {  	s26 =	sadd.s32 $0x100, s26;
	[tilespmem:s23+$0x30] =	vst v0  }
0x47: {  	v0 =	vld [tilespmem:s24+$0xFFFFFF50];
	_ =	sdelay $0x4  }
0x48: {  	[tilespmem:s22+$0xFFFFFF50] =	vst v0  }
0x49: {  	v0 =	vld [tilespmem:s24+$0xFFFFFF60];
	_ =	sdelay $0x4  }
0x4a: {  	[tilespmem:s22+$0xFFFFFF60] =	vst v0  }
0x4b: {  	v0 =	vld [tilespmem:s24+$0xFFFFFF70];
	_ =	sdelay $0x4  }
0x4c: {  	[tilespmem:s22+$0xFFFFFF70] =	vst v0  }
0x4d: {  	v0 =	vld [tilespmem:s24+$0xFFFFFF80];
	_ =	sdelay $0x4  }
0x4e: {  	[tilespmem:s22+$0xFFFFFF80] =	vst v0  }
0x4f: {  	v0 =	vld [tilespmem:s24+$0xFFFFFFD0];
	_ =	sdelay $0x4  }
0x50: {  	[tilespmem:s22+$0xFFFFFFD0] =	vst v0  }
0x51: {  	v0 =	vld [tilespmem:s24+$0xFFFFFFE0];
	_ =	sdelay $0x4  }
0x52: {  	[tilespmem:s22+$0xFFFFFFE0] =	vst v0  }
0x53: {  	v0 =	vld [tilespmem:s24+$0xFFFFFFF0];
	_ =	sdelay $0x4  }
0x54: {  	[tilespmem:s22+$0xFFFFFFF0] =	vst v0  }
0x55: {  	v0 =	vld [tilespmem:s24+$0x0];
	_ =	sdelay $0x4  }
0x56: {  	s23 =	simm.s32 $0x0;
	s24 =	simm.s32 $0x7EB0;
	[tilespmem:s22+$0x0] =	vst v0  }
.LBB2_5:
0x57: {  	v0 =	vld [tilespmem:s24+$0xFFFFFF50];
	s23 =	sadd.s32 $0x2, s23  }
0x58: {  	p1 =	slt.u32 s23, $0x30;
	_ =	sdelay $0x2  }
0x59: {  	s22 =	sadd.s32 $0x100, s22  }
0x5a: {  	[tilespmem:s22+$0xFFFFFF50] =	vst v0  }
0x5b: {  	v0 =	vld [tilespmem:s24+$0xFFFFFF60];
	_ =	sdelay $0x4  }
0x5c: {  	[tilespmem:s22+$0xFFFFFF60] =	vst v0  }
0x5d: {  	v0 =	vld [tilespmem:s24+$0xFFFFFF70];
	_ =	sdelay $0x4  }
0x5e: {  	[tilespmem:s22+$0xFFFFFF70] =	vst v0  }
0x5f: {  	v0 =	vld [tilespmem:s24+$0xFFFFFF80];
	_ =	sdelay $0x4  }
0x60: {  	[tilespmem:s22+$0xFFFFFF80] =	vst v0  }
0x61: {  	v0 =	vld [tilespmem:s24+$0xFFFFFFD0];
	_ =	sdelay $0x4  }
0x62: {  	[tilespmem:s22+$0xFFFFFFD0] =	vst v0  }
0x63: {  	v0 =	vld [tilespmem:s24+$0xFFFFFFE0];
	_ =	sdelay $0x4  }
0x64: {  	[tilespmem:s22+$0xFFFFFFE0] =	vst v0  }
0x65: {  	v0 =	vld [tilespmem:s24+$0xFFFFFFF0];
	_ =	sdelay $0x4  }
0x66: {  	[tilespmem:s22+$0xFFFFFFF0] =	vst v0  }
0x67: {  	v0 =	vld [tilespmem:s24+$0x0]  }
.Ltmp3:
0x68: {  	(pc) =	sbr.rel @p1 .LBB2_5-.Ltmp3, $2  }
0x69: {  	_ =	sdelay $0x2  }
0x6a: {  	s24 =	sadd.s32 $0x100, s24;
	[tilespmem:s22+$0x0] =	vst v0  }
0x6b: {  	s22 =	sshll.u32 s21, $0x3  }
0x6c: {  	s22 =	sor.u32 s5, s22  }
0x6d: {  	s23 =	smul.u32 $0x380, s22;
	_ =	sdelay $0x1  }
0x6e: {  	s23 =	sadd.s32 s4, s23  }
0x6f: {  	[hbm4b:s23+s2] =	stream.linear.scatter [tilespmem:s13], [sflag:$0x3], $0x1900, $0x38;
	[tilespmem:$0x19C00] =	vst v63  }
0x70: {  	s23 =	sadd.s32 $0x380, s23  }
0x71: {  	[hbm4b:s23+s2] =	stream.linear.scatter [tilespmem:s14], [sflag:$0x3], $0x1900, $0x38;
	[tilespmem:$0x19C00] =	vst v63  }
0x72: {  	s23 =	simm.s32 @!p0 $0x4  }
0x73: {  	_ =	swait.ge @!p0 [sflag:s23], $0x3200  }
0x74: {  	[sflag:s23] =	ssyncset.done @!p0 $0x0  }
0x75: {  	s24 =	simm.s32 $0x96B0;
	[sflag:s23] =	ssyncadd.s32 @!p0 $0xFFFFCE00  }
0x76: {  	v0 =	vld [tilespmem:s24+$0xFFFFFF50];
	_ =	sdelay $0x3  }
0x77: {  	s23 =	simm.s32 $0x164B0  }
0x78: {  	[tilespmem:s23+$0xFFFFFF50] =	vst v0  }
0x79: {  	v0 =	vld [tilespmem:s24+$0xFFFFFF60];
	_ =	sdelay $0x4  }
0x7a: {  	[tilespmem:s23+$0xFFFFFF60] =	vst v0  }
0x7b: {  	v0 =	vld [tilespmem:s24+$0xFFFFFF70];
	_ =	sdelay $0x4  }
0x7c: {  	[tilespmem:s23+$0xFFFFFF70] =	vst v0  }
0x7d: {  	v0 =	vld [tilespmem:s24+$0xFFFFFF80];
	_ =	sdelay $0x4  }
0x7e: {  	[tilespmem:s23+$0xFFFFFF80] =	vst v0  }
0x7f: {  	v0 =	vld [tilespmem:s24+$0xFFFFFFD0];
	_ =	sdelay $0x4  }
0x80: {  	[tilespmem:s23+$0xFFFFFFD0] =	vst v0  }
0x81: {  	v0 =	vld [tilespmem:s24+$0xFFFFFFE0];
	_ =	sdelay $0x4  }
0x82: {  	[tilespmem:s23+$0xFFFFFFE0] =	vst v0  }
0x83: {  	v0 =	vld [tilespmem:s24+$0xFFFFFFF0];
	_ =	sdelay $0x4  }
0x84: {  	[tilespmem:s23+$0xFFFFFFF0] =	vst v0  }
0x85: {  	v0 =	vld [tilespmem:s24+$0x0];
	_ =	sdelay $0x4  }
0x86: {  	s25 =	simm.s32 $0x97B0;
	s24 =	simm.s32 $0x0;
	[tilespmem:s23+$0x0] =	vst v0  }
.LBB2_7:
0x87: {  	v0 =	vld [tilespmem:s25+$0xFFFFFF50];
	s24 =	sadd.s32 $0x2, s24  }
0x88: {  	p0 =	slt.u32 s24, $0x30;
	_ =	sdelay $0x2  }
0x89: {  	s23 =	sadd.s32 $0x100, s23  }
0x8a: {  	[tilespmem:s23+$0xFFFFFF50] =	vst v0  }
0x8b: {  	v0 =	vld [tilespmem:s25+$0xFFFFFF60];
	_ =	sdelay $0x4  }
0x8c: {  	[tilespmem:s23+$0xFFFFFF60] =	vst v0  }
0x8d: {  	v0 =	vld [tilespmem:s25+$0xFFFFFF70];
	_ =	sdelay $0x4  }
0x8e: {  	[tilespmem:s23+$0xFFFFFF70] =	vst v0  }
0x8f: {  	v0 =	vld [tilespmem:s25+$0xFFFFFF80];
	_ =	sdelay $0x4  }
0x90: {  	[tilespmem:s23+$0xFFFFFF80] =	vst v0  }
0x91: {  	v0 =	vld [tilespmem:s25+$0xFFFFFFD0];
	_ =	sdelay $0x4  }
0x92: {  	[tilespmem:s23+$0xFFFFFFD0] =	vst v0  }
0x93: {  	v0 =	vld [tilespmem:s25+$0xFFFFFFE0];
	_ =	sdelay $0x4  }
0x94: {  	[tilespmem:s23+$0xFFFFFFE0] =	vst v0  }
0x95: {  	v0 =	vld [tilespmem:s25+$0xFFFFFFF0];
	_ =	sdelay $0x4  }
0x96: {  	[tilespmem:s23+$0xFFFFFFF0] =	vst v0  }
0x97: {  	v0 =	vld [tilespmem:s25+$0x0]  }
.Ltmp4:
0x98: {  	(pc) =	sbr.rel @p0 .LBB2_7-.Ltmp4, $2  }
0x99: {  	_ =	sdelay $0x2  }
0x9a: {  	s25 =	sadd.s32 $0x100, s25;
	[tilespmem:s23+$0x0] =	vst v0  }
0x9b: {  	s23 =	simm.s32 $0x0  }
0x9c: {  	v4 =	vld [tilespmem:s23+$0xAFB0]  }
0x9d: {  	v5 =	vld [tilespmem:s23+$0xAF00]  }
0x9e: {  	v3 =	vld [tilespmem:s23+$0xAF10]  }
0x9f: {  	v1 =	vld [tilespmem:s23+$0xAF20]  }
0xa0: {  	v0 =	vld [tilespmem:s23+$0xAF30]  }
0xa1: {  	v2 =	vld [tilespmem:s23+$0xAF80];
	[tilespmem:s23+$0x180B0] =	vst v4  }
0xa2: {  	s24 =	simm.s32 $0x0;
	s25 =	simm.s32 $0x400;
	[tilespmem:s23+$0x18000] =	vst v5;
	v4 =	vld [tilespmem:s23+$0xAF90]  }
.LBB2_9:
0xa3: {  	s26 =	sshra.s32 s25, $0x2;
	s24 =	sadd.s32 $0x2, s24;
	[tilespmem:s23+$0x18010] =	vst v3;
	v5 =	vld [tilespmem:s23+$0xAFA0]  }
0xa4: {  	v6 =	vld [tilespmem:s26+$0xAFB0];
	p0 =	slt.u32 s24, $0x30;
	[tilespmem:s23+$0x18020] =	vst v1  }
0xa5: {  	v7 =	vld [tilespmem:s26+$0xAF00];
	[tilespmem:s23+$0x18030] =	vst v0  }
.Ltmp5:
0xa6: {  	v3 =	vld [tilespmem:s26+$0xAF10];
	[tilespmem:s23+$0x18080] =	vst v2;
	(pc) =	sbr.rel @p0 .LBB2_9-.Ltmp5, $4  }
0xa7: {  	v1 =	vld [tilespmem:s26+$0xAF20];
	[tilespmem:s23+$0x18090] =	vst v4  }
0xa8: {  	v0 =	vld [tilespmem:s26+$0xAF30];
	[tilespmem:s23+$0x180A0] =	vst v5;
	s23 =	smov.u32 s26  }
0xa9: {  	v2 =	vld [tilespmem:s23+$0xAF80];
	[tilespmem:s23+$0x180B0] =	vst v6  }
0xaa: {  	s25 =	sadd.s32 $0x400, s25;
	[tilespmem:s23+$0x18000] =	vst v7;
	v4 =	vld [tilespmem:s23+$0xAF90]  }
0xab: {  	[tilespmem:s23+$0x18010] =	vst v3;
	v3 =	vld [tilespmem:s23+$0xAFA0]  }
0xac: {  	s24 =	smul.u32 $0x1C00, s22;
	[tilespmem:s23+$0x18020] =	vst v1  }
0xad: {  	[tilespmem:s23+$0x18030] =	vst v0  }
0xae: {  	s24 =	sshrl.u32 s24, $0x3;
	[tilespmem:s23+$0x18080] =	vst v2  }
0xaf: {  	p0 =	seq.s32 s21, $0x3F;
	s24 =	sadd.s32 s4, s24;
	[tilespmem:s23+$0x18090] =	vst v4  }
0xb0: {  	s30 =	sadd.s32 $0x700, s24;
	s31 =	sadd.s32 $0xA80, s24;
	s24 =	smul.u32 @!p0 $0x640, s21;
	[tilespmem:s23+$0x180A0] =	vst v3  }
0xb1: {  	[hbm4b:s30+s2] =	stream.linear.scatter [tilespmem:s15], [sflag:$0x4], $0x1900, $0x38;
	[tilespmem:$0x19C00] =	vst v63  }
0xb2: {  	s23 =	sshra.s32 @!p0 s24, $0x2  }
0xb3: {  	[hbm4b:s31+s2] =	stream.linear.scatter [tilespmem:s16], [sflag:$0x4], $0x1900, $0x38;
	[tilespmem:$0x19C00] =	vst v63  }
0xb4: {  	s25 =	simm.s32 @!p0 $0x6400;
	s24 =	simm.s32 @!p0 $0xC8;
	s23 =	sadd.s32 @!p0 $0x190, s23  }
0xb5: {  	[tilespmem:s25], [sflag:$0x1] =	stream.indirect.gather @!p0 [hbm4b:s3+s24], $0x80, s23, s24, $0xb8;
	[tilespmem:$0x19C00] =	vst v63  }
0xb6: {  	_ =	swait.ge [sflag:s17], $0x6400  }
0xb7: {  	[sflag:s17] =	ssyncset.done $0x0  }
0xb8: {  	[sflag:s17] =	ssyncadd.s32 $0xFFFF9C00  }
0xb9: {  	_ =	swait.ge [sflag:s18], $0x3200  }
0xba: {  	[sflag:s18] =	ssyncset.done $0x0  }
0xbb: {  	s23 =	simm.s32 $0x0;
	[sflag:s18] =	ssyncadd.s32 $0xFFFFCE00  }
0xbc: {  	v4 =	vld [tilespmem:s23+$0xC8B0]  }
0xbd: {  	v5 =	vld [tilespmem:s23+$0xC800]  }
0xbe: {  	v3 =	vld [tilespmem:s23+$0xC810]  }
0xbf: {  	v0 =	vld [tilespmem:s23+$0xC820]  }
0xc0: {  	v1 =	vld [tilespmem:s23+$0xC830]  }
0xc1: {  	v2 =	vld [tilespmem:s23+$0xC880];
	[tilespmem:s23+$0x12CB0] =	vst v4  }
0xc2: {  	s26 =	simm.s32 $0x400;
	s25 =	simm.s32 $0x0;
	s24 =	simm.s32 $0x0;
	[tilespmem:s23+$0x12C00] =	vst v5;
	v4 =	vld [tilespmem:s23+$0xC890]  }
.LBB2_11:
0xc3: {  	s28 =	sshra.s32 s26, $0x2;
	s25 =	sadd.s32 $0x2, s25;
	[tilespmem:s24+$0x12C10] =	vst v3;
	v5 =	vld [tilespmem:s24+$0xC8A0]  }
0xc4: {  	v6 =	vld [tilespmem:s28+$0xC8B0];
	p1 =	slt.u32 s25, $0x30;
	[tilespmem:s24+$0x12C20] =	vst v0  }
0xc5: {  	v7 =	vld [tilespmem:s28+$0xC800];
	[tilespmem:s24+$0x12C30] =	vst v1  }
.Ltmp6:
0xc6: {  	v3 =	vld [tilespmem:s28+$0xC810];
	[tilespmem:s24+$0x12C80] =	vst v2;
	(pc) =	sbr.rel @p1 .LBB2_11-.Ltmp6, $4  }
0xc7: {  	v0 =	vld [tilespmem:s28+$0xC820];
	[tilespmem:s24+$0x12C90] =	vst v4  }
0xc8: {  	v1 =	vld [tilespmem:s28+$0xC830];
	[tilespmem:s24+$0x12CA0] =	vst v5;
	s24 =	smov.u32 s28  }
0xc9: {  	v2 =	vld [tilespmem:s24+$0xC880];
	[tilespmem:s24+$0x12CB0] =	vst v6  }
0xca: {  	s26 =	sadd.s32 $0x400, s26;
	[tilespmem:s24+$0x12C00] =	vst v7;
	v4 =	vld [tilespmem:s24+$0xC890]  }
0xcb: {  	[tilespmem:s24+$0x12C10] =	vst v3;
	v3 =	vld [tilespmem:s24+$0xC8A0]  }
0xcc: {  	[tilespmem:s24+$0x12C20] =	vst v0  }
0xcd: {  	[tilespmem:s24+$0x12C30] =	vst v1  }
0xce: {  	[tilespmem:s24+$0x12C80] =	vst v2  }
0xcf: {  	[tilespmem:s24+$0x12C90] =	vst v4  }
0xd0: {  	[tilespmem:s24+$0x12CA0] =	vst v3  }
0xd1: {  	v4 =	vld [tilespmem:s23+$0xE1B0]  }
0xd2: {  	v5 =	vld [tilespmem:s23+$0xE100]  }
0xd3: {  	v3 =	vld [tilespmem:s23+$0xE110]  }
0xd4: {  	v0 =	vld [tilespmem:s23+$0xE120]  }
0xd5: {  	v1 =	vld [tilespmem:s23+$0xE130]  }
0xd6: {  	v2 =	vld [tilespmem:s23+$0xE180];
	[tilespmem:s23+$0x148B0] =	vst v4  }
0xd7: {  	s25 =	simm.s32 $0x400;
	s24 =	simm.s32 $0x0;
	[tilespmem:s23+$0x14800] =	vst v5;
	v4 =	vld [tilespmem:s23+$0xE190]  }
.LBB2_13:
0xd8: {  	s26 =	sshra.s32 s25, $0x2;
	s24 =	sadd.s32 $0x2, s24;
	[tilespmem:s23+$0x14810] =	vst v3;
	v5 =	vld [tilespmem:s23+$0xE1A0]  }
0xd9: {  	v6 =	vld [tilespmem:s26+$0xE1B0];
	p1 =	slt.u32 s24, $0x30;
	[tilespmem:s23+$0x14820] =	vst v0  }
0xda: {  	v7 =	vld [tilespmem:s26+$0xE100];
	[tilespmem:s23+$0x14830] =	vst v1  }
.Ltmp7:
0xdb: {  	v3 =	vld [tilespmem:s26+$0xE110];
	[tilespmem:s23+$0x14880] =	vst v2;
	(pc) =	sbr.rel @p1 .LBB2_13-.Ltmp7, $4  }
0xdc: {  	v0 =	vld [tilespmem:s26+$0xE120];
	[tilespmem:s23+$0x14890] =	vst v4  }
0xdd: {  	v1 =	vld [tilespmem:s26+$0xE130];
	[tilespmem:s23+$0x148A0] =	vst v5;
	s23 =	smov.u32 s26  }
0xde: {  	v2 =	vld [tilespmem:s23+$0xE180];
	[tilespmem:s23+$0x148B0] =	vst v6  }
0xdf: {  	s25 =	sadd.s32 $0x400, s25;
	[tilespmem:s23+$0x14800] =	vst v7;
	v4 =	vld [tilespmem:s23+$0xE190]  }
0xe0: {  	[tilespmem:s23+$0x14810] =	vst v3;
	v3 =	vld [tilespmem:s23+$0xE1A0]  }
0xe1: {  	[tilespmem:s23+$0x14820] =	vst v0  }
0xe2: {  	s22 =	sor.u32 $0x4, s22;
	[tilespmem:s23+$0x14830] =	vst v1  }
0xe3: {  	s24 =	smul.u32 $0x380, s22;
	[tilespmem:s23+$0x14880] =	vst v2  }
0xe4: {  	[tilespmem:s23+$0x14890] =	vst v4  }
0xe5: {  	s31 =	simm.s32 $0x0;
	s30 =	sadd.s32 s4, s24;
	[tilespmem:s23+$0x148A0] =	vst v3  }
0xe6: {  	[hbm4b:s30+s31] =	stream.linear.scatter [tilespmem:s13], [sflag:$0x3], $0x1900, $0x38;
	[tilespmem:$0x19C00] =	vst v63  }
0xe7: {  	s23 =	sadd.s32 $0x380, s30  }
0xe8: {  	[hbm4b:s23+s31] =	stream.linear.scatter [tilespmem:s14], [sflag:$0x3], $0x1900, $0x38;
	[tilespmem:$0x19C00] =	vst v63  }
0xe9: {  	_ =	swait.ge [sflag:s19], $0x3200  }
0xea: {  	[sflag:s19] =	ssyncset.done $0x0  }
0xeb: {  	s23 =	simm.s32 $0x0;
	[sflag:s19] =	ssyncadd.s32 $0xFFFFCE00  }
0xec: {  	v4 =	vld [tilespmem:s23+$0xFAB0]  }
0xed: {  	v5 =	vld [tilespmem:s23+$0xFA00]  }
0xee: {  	v3 =	vld [tilespmem:s23+$0xFA10]  }
0xef: {  	v0 =	vld [tilespmem:s23+$0xFA20]  }
0xf0: {  	v1 =	vld [tilespmem:s23+$0xFA30]  }
0xf1: {  	v2 =	vld [tilespmem:s23+$0xFA80];
	[tilespmem:s23+$0x164B0] =	vst v4  }
0xf2: {  	s25 =	simm.s32 $0x0;
	s26 =	simm.s32 $0x400;
	s24 =	simm.s32 $0x0;
	[tilespmem:s23+$0x16400] =	vst v5;
	v4 =	vld [tilespmem:s23+$0xFA90]  }
.LBB2_15:
0xf3: {  	s28 =	sshra.s32 s26, $0x2;
	s25 =	sadd.s32 $0x2, s25;
	[tilespmem:s24+$0x16410] =	vst v3;
	v5 =	vld [tilespmem:s24+$0xFAA0]  }
0xf4: {  	v6 =	vld [tilespmem:s28+$0xFAB0];
	p1 =	slt.u32 s25, $0x30;
	[tilespmem:s24+$0x16420] =	vst v0  }
0xf5: {  	v7 =	vld [tilespmem:s28+$0xFA00];
	[tilespmem:s24+$0x16430] =	vst v1  }
.Ltmp8:
0xf6: {  	v3 =	vld [tilespmem:s28+$0xFA10];
	[tilespmem:s24+$0x16480] =	vst v2;
	(pc) =	sbr.rel @p1 .LBB2_15-.Ltmp8, $4  }
0xf7: {  	v0 =	vld [tilespmem:s28+$0xFA20];
	[tilespmem:s24+$0x16490] =	vst v4  }
0xf8: {  	v1 =	vld [tilespmem:s28+$0xFA30];
	[tilespmem:s24+$0x164A0] =	vst v5;
	s24 =	smov.u32 s28  }
0xf9: {  	v2 =	vld [tilespmem:s24+$0xFA80];
	[tilespmem:s24+$0x164B0] =	vst v6  }
0xfa: {  	s26 =	sadd.s32 $0x400, s26;
	[tilespmem:s24+$0x16400] =	vst v7;
	v4 =	vld [tilespmem:s24+$0xFA90]  }
0xfb: {  	[tilespmem:s24+$0x16410] =	vst v3;
	v3 =	vld [tilespmem:s24+$0xFAA0]  }
0xfc: {  	[tilespmem:s24+$0x16420] =	vst v0  }
0xfd: {  	[tilespmem:s24+$0x16430] =	vst v1  }
0xfe: {  	[tilespmem:s24+$0x16480] =	vst v2  }
0xff: {  	[tilespmem:s24+$0x16490] =	vst v4  }
0x100: {  	[tilespmem:s24+$0x164A0] =	vst v3  }
0x101: {  	v4 =	vld [tilespmem:s23+$0x113B0]  }
0x102: {  	v5 =	vld [tilespmem:s23+$0x11300]  }
0x103: {  	v3 =	vld [tilespmem:s23+$0x11310]  }
0x104: {  	v1 =	vld [tilespmem:s23+$0x11320]  }
0x105: {  	v0 =	vld [tilespmem:s23+$0x11330]  }
0x106: {  	v2 =	vld [tilespmem:s23+$0x11380];
	[tilespmem:s23+$0x180B0] =	vst v4  }
0x107: {  	s25 =	simm.s32 $0x400;
	s24 =	simm.s32 $0x0;
	[tilespmem:s23+$0x18000] =	vst v5;
	v4 =	vld [tilespmem:s23+$0x11390]  }
.LBB2_17:
0x108: {  	s26 =	sshra.s32 s25, $0x2;
	s24 =	sadd.s32 $0x2, s24;
	[tilespmem:s23+$0x18010] =	vst v3;
	v5 =	vld [tilespmem:s23+$0x113A0]  }
0x109: {  	v6 =	vld [tilespmem:s26+$0x113B0];
	p1 =	slt.u32 s24, $0x30;
	[tilespmem:s23+$0x18020] =	vst v1  }
0x10a: {  	v7 =	vld [tilespmem:s26+$0x11300];
	[tilespmem:s23+$0x18030] =	vst v0  }
.Ltmp9:
0x10b: {  	v3 =	vld [tilespmem:s26+$0x11310];
	[tilespmem:s23+$0x18080] =	vst v2;
	(pc) =	sbr.rel @p1 .LBB2_17-.Ltmp9, $4  }
0x10c: {  	v1 =	vld [tilespmem:s26+$0x11320];
	[tilespmem:s23+$0x18090] =	vst v4  }
0x10d: {  	v0 =	vld [tilespmem:s26+$0x11330];
	[tilespmem:s23+$0x180A0] =	vst v5;
	s23 =	smov.u32 s26  }
0x10e: {  	v2 =	vld [tilespmem:s23+$0x11380];
	[tilespmem:s23+$0x180B0] =	vst v6  }
0x10f: {  	s25 =	sadd.s32 $0x400, s25;
	[tilespmem:s23+$0x18000] =	vst v7;
	v4 =	vld [tilespmem:s23+$0x11390]  }
0x110: {  	[tilespmem:s23+$0x18010] =	vst v3;
	v63 =	vld [tilespmem:s23+$0x113A0]  }
0x111: {  	s22 =	smul.u32 $0x1C00, s22;
	[tilespmem:s23+$0x18020] =	vst v1  }
0x112: {  	[tilespmem:s23+$0x18030] =	vst v0  }
0x113: {  	s22 =	sshrl.u32 s22, $0x3;
	[tilespmem:s23+$0x18080] =	vst v2  }
.Ltmp10:
0x114: {  	s22 =	sadd.s32 s4, s22;
	[tilespmem:s23+$0x18090] =	vst v4;
	(pc) =	sbr.rel @p0 .LBB2_20-.Ltmp10, $4  }
0x115: {  	s31 =	sadd.s32 $0x700, s22;
	[tilespmem:s23+$0x180A0] =	vst v63  }
0x116: {  	[hbm4b:s31+s2] =	stream.linear.scatter [tilespmem:s15], [sflag:$0x4], $0x1900, $0x38;
	[tilespmem:$0x19C00] =	vst v63  }
0x117: {  	s22 =	sadd.s32 $0xA80, s22  }
0x118: {  	[hbm4b:s22+s2] =	stream.linear.scatter [tilespmem:s16], [sflag:$0x4], $0x1900, $0x38;
	[tilespmem:$0x19C00] =	vst v63  }
0x119: {  	s22 =	smul.u32 $0x640, s21  }
.Ltmp11:
0x11a: {  	_ = 	snop;
	(pc) =	sbr.rel .LBB2_2-.Ltmp11, $4  }
0x11b: {  	_ = 	snop  }
0x11c: {  	s22 =	sshra.s32 s22, $0x2  }
0x11d: {  	s21 =	sadd.s32 $0x1, s21;
	s22 =	sadd.s32 $0x258, s22  }
0x11e: {  	[tilespmem:s11], [sflag:$0x2] =	stream.indirect.gather [hbm4b:s3+s9], $0x80, s22, s9, $0xb8;
	[tilespmem:$0x19C00] =	vst v63  }
.LBB2_21:
0x11f: {  	_ =	sfence.sel $0x180000  }
0x120: {  	[bflag:$0x0] =	sbarrier.arrive $0xFFFF  }
0x121: {  	p0 =	sne.s32 s0, $0x0;
	_ =	strace $0x90000047  }
0x122: {  	s0 =	sadd.s32 @!p0 $0x100000, s1;
	[bflag:$0x2] =	sbarrier.arrive $0xFFFF  }
0x123: {  	[sflag:s0] =	ssyncadd.tile.s32 @!p0 $0x1;
	_ =	shalt  }
.Lfunc_end2:
_tile_overlayer_lowered:
.L_overlay_start_2:
0x124: {  	(tag) =	ssettag $0x2  }
0x125: {  	s0 =	rddreg [dreg:$0x0];
	s2 =	stileid.u32  }
0x126: {  	s1 =	rddreg [dreg:$0x1];
	p0 =	sne.s32 s2, $0x0  }
0x127: {  	s3 =	rddreg [dreg:$0x2];
	[bflag:$0x3] =	sbarrier.arrive $0xFFFF;
	s2 =	simm.s32 @!p0 $0x1C05  }
0x128: {  	[timem:s3], [sflag:s2] =	dma.local @!p0 [hbm:s0], s1  }
0x129: {  	s0 =	simm.s32 @!p0 $0x5  }
0x12a: {  	_ =	swait.ge @!p0 [sflag:s0], s1  }
0x12b: {  	s1 =	ssub.s32 @!p0 $0x0, s1;
	[sflag:s0] =	ssyncset.done @!p0 $0x0  }
0x12c: {  	[sflag:s0] =	ssyncadd.s32 @!p0 s1  }
0x12d: {  	[bflag:$0x3] =	sbarrier.arrive $0xFFFF  }
0x12e: {  	_ =	shalt  }

</sc_bundles>
